<compile_context>
chip_gen: v7x
topology: tpu7x:2x2x1
jax: 0.10.2.dev20260603
libtpu: 0.0.44.dev20260713+nightly
codegen_flags: <defaults>
</compile_context>

<pallas_src>
import functools

import jax
import jax.numpy as jnp
from jax import lax
from jax.experimental import pallas as pl
from jax.experimental.pallas import tpu as pltpu
from jax.experimental.pallas import tpu_sc as plsc

N = 10000
D = 128
NC, NS = 2, 16
NW = NC * NS
NPAD = 10240
RPT = NPAD // NS
K = 128
E = 320000
EPW_CHUNKS = -(-E // (NW * K))
EPW = EPW_CHUNKS * K
E_PAD = EPW * NW

_mesh = plsc.VectorSubcoreMesh(core_axis_name="c", subcore_axis_name="s")


@functools.partial(
    pl.kernel,
    out_type=jax.ShapeDtypeStruct((NC, 2, NPAD), jnp.float32),
    mesh=_mesh,
    scratch_types=[
        pltpu.VMEM((K,), jnp.int32),
        pltpu.VMEM((K,), jnp.float32),
        pltpu.VMEM((RPT,), jnp.float32),
        pltpu.VMEM_SHARED((NPAD,), jnp.float32),
        pltpu.VMEM_SHARED((NPAD,), jnp.float32),
    ],
)
def _sc_degrees(src_hbm, dst_hbm, ones_hbm, zer_hbm, out_hbm,
                idx_v, ones_v, buf_v, dsrc_sh, ddst_sh):
    c = lax.axis_index("c")
    s = lax.axis_index("s")
    wid = s * NC + c
    pltpu.sync_copy(ones_hbm, ones_v)
    pltpu.sync_copy(zer_hbm, buf_v)
    r0 = s * RPT
    pltpu.sync_copy(buf_v, dsrc_sh.at[pl.ds(r0, RPT)])
    pltpu.sync_copy(buf_v, ddst_sh.at[pl.ds(r0, RPT)])
    plsc.subcore_barrier()
    e0 = wid * EPW

    def body(i, carry):
        base = e0 + i * K
        pltpu.sync_copy(src_hbm.at[pl.ds(base, K)], idx_v)
        pltpu.sync_copy(ones_v, dsrc_sh.at[idx_v], add=True)
        pltpu.sync_copy(dst_hbm.at[pl.ds(base, K)], idx_v)
        pltpu.sync_copy(ones_v, ddst_sh.at[idx_v], add=True)
        return carry

    lax.fori_loop(0, EPW_CHUNKS, body, 0)
    plsc.subcore_barrier()
    pltpu.sync_copy(dsrc_sh.at[pl.ds(r0, RPT)], buf_v)
    pltpu.sync_copy(buf_v, out_hbm.at[c, 0, pl.ds(r0, RPT)])
    pltpu.sync_copy(ddst_sh.at[pl.ds(r0, RPT)], buf_v)
    pltpu.sync_copy(buf_v, out_hbm.at[c, 1, pl.ds(r0, RPT)])


@functools.partial(
    pl.kernel,
    out_type=jax.ShapeDtypeStruct((NC, NPAD, D), jnp.float32),
    mesh=_mesh,
    scratch_types=[
        pltpu.VMEM((K,), jnp.int32),
        pltpu.VMEM((K,), jnp.int32),
        pltpu.VMEM((K, D), jnp.float32),
        pltpu.VMEM_SHARED((NPAD, D), jnp.float32),
        pltpu.SemaphoreType.DMA,
    ],
)
def _sc_edge_scatter(hs_hbm, src_hbm, dst_hbm, zrows_hbm, out_hbm,
                     sidx, didx, rows, acc, sem):
    c = lax.axis_index("c")
    s = lax.axis_index("s")
    wid = s * NC + c
    r0 = s * RPT
    pltpu.sync_copy(zrows_hbm, rows)
    for z in range(RPT // K):
        pltpu.sync_copy(rows, acc.at[pl.ds(r0 + z * K, K)])
    plsc.subcore_barrier()
    e0 = wid * EPW

    def body(i, carry):
        base = e0 + i * K
        pltpu.sync_copy(src_hbm.at[pl.ds(base, K)], sidx)
        pltpu.async_copy(hs_hbm.at[sidx], rows, sem).wait()
        pltpu.sync_copy(dst_hbm.at[pl.ds(base, K)], didx)
        pltpu.sync_copy(rows, acc.at[didx], add=True)
        return carry

    lax.fori_loop(0, EPW_CHUNKS, body, 0)
    plsc.subcore_barrier()
    for z in range(RPT // K):
        pltpu.sync_copy(acc.at[pl.ds(r0 + z * K, K)], rows)
        pltpu.sync_copy(rows, out_hbm.at[c, pl.ds(r0 + z * K, K)])


RB = 1024


def _rsqrt_a(p_ref):
    return lax.rsqrt(p_ref[:, 0:1] + p_ref[:, 2:3] + 1.0)


def _rsqrt_c(p_ref):
    return lax.rsqrt(p_ref[:, 1:2] + p_ref[:, 3:4] + 1.0)


def _tc_pre_body(x_ref, w_ref, p_ref, o_ref):
    h = jnp.dot(x_ref[...], w_ref[...], preferred_element_type=jnp.float32)
    o_ref[...] = h * _rsqrt_a(p_ref)


_tc_pre = pl.pallas_call(
    _tc_pre_body,
    grid=(NPAD // RB,),
    in_specs=[
        pl.BlockSpec((RB, D), lambda i: (i, 0)),
        pl.BlockSpec((D, D), lambda i: (0, 0)),
        pl.BlockSpec((RB, 4), lambda i: (i, 0)),
    ],
    out_specs=pl.BlockSpec((RB, D), lambda i: (i, 0)),
    out_shape=jax.ShapeDtypeStruct((NPAD, D), jnp.float32),
)


def _tc_mid_body(s_ref, hs_ref, p_ref, b_ref, w_ref, o_ref):
    tot = s_ref[0] + s_ref[1] + hs_ref[...]
    h1 = jnp.maximum(_rsqrt_c(p_ref) * tot + b_ref[...], 0.0)
    h2 = jnp.dot(h1, w_ref[...], preferred_element_type=jnp.float32)
    o_ref[...] = h2 * _rsqrt_a(p_ref)


_tc_mid = pl.pallas_call(
    _tc_mid_body,
    grid=(NPAD // RB,),
    in_specs=[
        pl.BlockSpec((NC, RB, D), lambda i: (0, i, 0)),
        pl.BlockSpec((RB, D), lambda i: (i, 0)),
        pl.BlockSpec((RB, 4), lambda i: (i, 0)),
        pl.BlockSpec((1, D), lambda i: (0, 0)),
        pl.BlockSpec((D, D), lambda i: (0, 0)),
    ],
    out_specs=pl.BlockSpec((RB, D), lambda i: (i, 0)),
    out_shape=jax.ShapeDtypeStruct((NPAD, D), jnp.float32),
)


def _tc_fin_body(s_ref, hs_ref, p_ref, b_ref, o_ref):
    tot = s_ref[0] + s_ref[1] + hs_ref[...]
    o_ref[...] = _rsqrt_c(p_ref) * tot + b_ref[...]


_tc_fin = pl.pallas_call(
    _tc_fin_body,
    grid=(NPAD // RB,),
    in_specs=[
        pl.BlockSpec((NC, RB, D), lambda i: (0, i, 0)),
        pl.BlockSpec((RB, D), lambda i: (i, 0)),
        pl.BlockSpec((RB, 4), lambda i: (i, 0)),
        pl.BlockSpec((1, D), lambda i: (0, 0)),
    ],
    out_specs=pl.BlockSpec((RB, D), lambda i: (i, 0)),
    out_shape=jax.ShapeDtypeStruct((NPAD, D), jnp.float32),
)


def kernel(x, edge_index, W1, b1, W2, b2):
    ei = edge_index.astype(jnp.int32)
    pad_idx = N + (jnp.arange(E_PAD - E, dtype=jnp.int32) % (NPAD - N))
    src = jnp.concatenate([ei[0], pad_idx])
    dst = jnp.concatenate([ei[1], pad_idx])
    x_pad = jnp.concatenate([x, jnp.zeros((NPAD - N, D), jnp.float32)], axis=0)
    ones_k = jnp.ones((K,), jnp.float32)
    zer_r = jnp.zeros((RPT,), jnp.float32)
    zrows = jnp.zeros((K, D), jnp.float32)

    degs = _sc_degrees(src, dst, ones_k, zer_r)
    p = jnp.transpose(degs.reshape(2 * NC, NPAD))

    hs1 = _tc_pre(x_pad, W1, p)
    s1 = _sc_edge_scatter(hs1, src, dst, zrows)
    hs2 = _tc_mid(s1, hs1, p, b1.reshape(1, D), W2)
    s2 = _sc_edge_scatter(hs2, src, dst, zrows)
    out = _tc_fin(s2, hs2, p, b2.reshape(1, D))
    return out[:N][None]

# --- scband reference (transcript-rebuilt; emitter-appended) ---
"""Pipeline reference for scband-simple-gcn-19997367730675 (READ-ONLY COPY).

The authoritative reference and input builder live on the scoring server;
editing this copy changes nothing except your own understanding.
"""

import jax, jax.numpy as jnp
import numpy as np

N_NODES = 10000
N_EDGES = 320000
D_IN = 128
D_HID = 128
D_OUT = 128


def setup_inputs(seed: int = 0) -> dict:
    key = jax.random.key(seed)
    k1, k2, k3, k4, k5, k6 = jax.random.split(key, 6)
    x = jax.random.normal(k1, (N_NODES, D_IN), dtype=jnp.float32)
    edge_index = jax.random.randint(k2, (2, N_EDGES), 0, N_NODES, dtype=jnp.int64)
    # GraphConv layer 1 params (Glorot-ish scale)
    W1 = jax.random.normal(k3, (D_IN, D_HID), dtype=jnp.float32) * (1.0 / np.sqrt(D_IN))
    b1 = jnp.zeros((D_HID,), dtype=jnp.float32)
    # GraphConv layer 2 params
    W2 = jax.random.normal(k4, (D_HID, D_OUT), dtype=jnp.float32) * (1.0 / np.sqrt(D_HID))
    b2 = jnp.zeros((D_OUT,), dtype=jnp.float32)
    return {"x": x, "edge_index": edge_index, "W1": W1, "b1": b1, "W2": W2, "b2": b2}


def reference(x, edge_index, W1, b1, W2, b2):
    # dgl.add_self_loop(g): append (i, i) for every node
    n = x.shape[0]
    self_idx = jnp.arange(n, dtype=edge_index.dtype)
    src = jnp.concatenate([edge_index[0], self_idx])
    dst = jnp.concatenate([edge_index[1], self_idx])

    ones = jnp.ones(src.shape[0], dtype=jnp.float32)
    deg_out = jax.ops.segment_sum(ones, src, num_segments=n)  # out-degree of src nodes
    deg_in = jax.ops.segment_sum(ones, dst, num_segments=n)   # in-degree of dst nodes
    # DGL GraphConv norm='both': message normalized by 1/sqrt(d_src_out * d_dst_in)
    # self-loops guarantee degrees >= 1
    norm = jax.lax.rsqrt(deg_out)[src] * jax.lax.rsqrt(deg_in)[dst]

    def graph_conv(h, W, b):
        h = h @ W                               # weight first (same math as DGL when d_in >= d_out)
        msg = jnp.take(h, src, axis=0) * norm[:, None]   # gather + scale
        agg = jax.ops.segment_sum(msg, dst, num_segments=n)  # scatter-add
        return agg + b

    h = graph_conv(x, W1, b1)
    h = jax.nn.relu(h)
    h = graph_conv(h, W2, b2)
    return h[None]  # unsqueeze(0) -> [1, N, D_OUT]

if __name__ == "__main__":
    import jax
    _d = setup_inputs()
    print(jax.jit(kernel)(*tuple(_d.values())))

</pallas_src>

<mosaic_0001>
#map = affine_map<(d0, d1) -> (0, 0)>
#map1 = affine_map<(d0, d1) -> (0)>
#map2 = affine_map<(d0, d1) -> (0, 0, 0)>
module attributes {stable_mosaic.version = 14 : i64} {
  func.func @_sc_edge_scatter(%arg0: i32, %arg1: i32, %arg2: memref<10240x128xf32, #tpu.memory_space<hbm>>, %arg3: memref<323584xi32, #tpu.memory_space<hbm>>, %arg4: memref<323584xi32, #tpu.memory_space<hbm>>, %arg5: memref<128x128xf32, #tpu.memory_space<hbm>>, %arg6: memref<2x10240x128xf32, #tpu.memory_space<hbm>>, %arg7: memref<128xi32, #tpu.memory_space<vmem>>, %arg8: memref<128xi32, #tpu.memory_space<vmem>>, %arg9: memref<128x128xf32, #tpu.memory_space<vmem>>, %arg10: memref<10240x128xf32, #tpu.memory_space<vmem_shared>>, %arg11: memref<!tpu.dma_semaphore, #tpu.memory_space<semaphore_mem>>) attributes {dimension_semantics = [#tpu.dimension_semantics<core_parallel>, #tpu.dimension_semantics<subcore_parallel>], iteration_bounds = array<i64: 2, 16>, scalar_prefetch = 0 : i64, scratch_operands = 5 : i64, tpu.core_type = #tpu.core_type<sc_vector_subcore>, window_params = [{transform_indices = #map}, {transform_indices = #map1}, {transform_indices = #map1}, {transform_indices = #map}, {transform_indices = #map2}]} {
    %mul3A = arith.constant 2 : i32
    %mul3A_0 = arith.muli %arg1, %mul3A : i32
    %add3A = arith.addi %mul3A_0, %arg0 : i32
    %mul3A_1 = arith.constant 640 : i32
    %mul3A_2 = arith.muli %arg1, %mul3A_1 : i32
    "tpu.region"() ({
      %run_scoped3A = tpu.sem_alloc : memref<!tpu.dma_semaphore, #tpu.memory_space<semaphore_mem>>
      tpu.enqueue_dma source(%arg5 : memref<128x128xf32, #tpu.memory_space<hbm>>) target(%arg9 : memref<128x128xf32, #tpu.memory_space<vmem>>) target_semaphore(%run_scoped3A : memref<!tpu.dma_semaphore, #tpu.memory_space<semaphore_mem>>)
      tpu.wait_dma2 semaphore(%run_scoped3A : memref<!tpu.dma_semaphore, #tpu.memory_space<semaphore_mem>>) src(%arg5 : memref<128x128xf32, #tpu.memory_space<hbm>>) dst(%arg9 : memref<128x128xf32, #tpu.memory_space<vmem>>)
      tpu.yield
    }) : () -> ()
    %add3A_3 = arith.constant 0 : i32
    %add3A_4 = arith.addi %mul3A_2, %add3A_3 : i32
    "tpu.region"() ({
      %run_scoped3A = tpu.sem_alloc : memref<!tpu.dma_semaphore, #tpu.memory_space<semaphore_mem>>
      %dma_start3A = arith.constant 0 : i32
      %dma_start3A_41 = tpu.memref_slice %arg10[%add3A_4, %dma_start3A] : memref<10240x128xf32, #tpu.memory_space<vmem_shared>> -> memref<128x128xf32, #tpu.memory_space<vmem_shared>>
      %dma_start3A_42 = arith.constant 0 : i32
      %dma_start3A_43 = tpu.memref_slice %arg10[%add3A_4, %dma_start3A_42] : memref<10240x128xf32, #tpu.memory_space<vmem_shared>> -> memref<128x128xf32, #tpu.memory_space<vmem_shared>>
      tpu.enqueue_dma source(%arg9 : memref<128x128xf32, #tpu.memory_space<vmem>>) target(%dma_start3A_43 : memref<128x128xf32, #tpu.memory_space<vmem_shared>>) target_semaphore(%run_scoped3A : memref<!tpu.dma_semaphore, #tpu.memory_space<semaphore_mem>>)
      %dma_wait3A = arith.constant 0 : i32
      %dma_wait3A_44 = tpu.memref_slice %arg10[%add3A_4, %dma_wait3A] : memref<10240x128xf32, #tpu.memory_space<vmem_shared>> -> memref<128x128xf32, #tpu.memory_space<vmem_shared>>
      %dma_wait3A_45 = arith.constant 0 : i32
      %dma_wait3A_46 = tpu.memref_slice %arg10[%add3A_4, %dma_wait3A_45] : memref<10240x128xf32, #tpu.memory_space<vmem_shared>> -> memref<128x128xf32, #tpu.memory_space<vmem_shared>>
      tpu.wait_dma2 semaphore(%run_scoped3A : memref<!tpu.dma_semaphore, #tpu.memory_space<semaphore_mem>>) src(%arg9 : memref<128x128xf32, #tpu.memory_space<vmem>>) dst(%dma_wait3A_46 : memref<128x128xf32, #tpu.memory_space<vmem_shared>>)
      tpu.yield
    }) : () -> ()
    %add3A_5 = arith.constant 128 : i32
    %add3A_6 = arith.addi %mul3A_2, %add3A_5 : i32
    "tpu.region"() ({
      %run_scoped3A = tpu.sem_alloc : memref<!tpu.dma_semaphore, #tpu.memory_space<semaphore_mem>>
      %dma_start3A = arith.constant 0 : i32
      %dma_start3A_41 = tpu.memref_slice %arg10[%add3A_6, %dma_start3A] : memref<10240x128xf32, #tpu.memory_space<vmem_shared>> -> memref<128x128xf32, #tpu.memory_space<vmem_shared>>
      %dma_start3A_42 = arith.constant 0 : i32
      %dma_start3A_43 = tpu.memref_slice %arg10[%add3A_6, %dma_start3A_42] : memref<10240x128xf32, #tpu.memory_space<vmem_shared>> -> memref<128x128xf32, #tpu.memory_space<vmem_shared>>
      tpu.enqueue_dma source(%arg9 : memref<128x128xf32, #tpu.memory_space<vmem>>) target(%dma_start3A_43 : memref<128x128xf32, #tpu.memory_space<vmem_shared>>) target_semaphore(%run_scoped3A : memref<!tpu.dma_semaphore, #tpu.memory_space<semaphore_mem>>)
      %dma_wait3A = arith.constant 0 : i32
      %dma_wait3A_44 = tpu.memref_slice %arg10[%add3A_6, %dma_wait3A] : memref<10240x128xf32, #tpu.memory_space<vmem_shared>> -> memref<128x128xf32, #tpu.memory_space<vmem_shared>>
      %dma_wait3A_45 = arith.constant 0 : i32
      %dma_wait3A_46 = tpu.memref_slice %arg10[%add3A_6, %dma_wait3A_45] : memref<10240x128xf32, #tpu.memory_space<vmem_shared>> -> memref<128x128xf32, #tpu.memory_space<vmem_shared>>
      tpu.wait_dma2 semaphore(%run_scoped3A : memref<!tpu.dma_semaphore, #tpu.memory_space<semaphore_mem>>) src(%arg9 : memref<128x128xf32, #tpu.memory_space<vmem>>) dst(%dma_wait3A_46 : memref<128x128xf32, #tpu.memory_space<vmem_shared>>)
      tpu.yield
    }) : () -> ()
    %add3A_7 = arith.constant 256 : i32
    %add3A_8 = arith.addi %mul3A_2, %add3A_7 : i32
    "tpu.region"() ({
      %run_scoped3A = tpu.sem_alloc : memref<!tpu.dma_semaphore, #tpu.memory_space<semaphore_mem>>
      %dma_start3A = arith.constant 0 : i32
      %dma_start3A_41 = tpu.memref_slice %arg10[%add3A_8, %dma_start3A] : memref<10240x128xf32, #tpu.memory_space<vmem_shared>> -> memref<128x128xf32, #tpu.memory_space<vmem_shared>>
      %dma_start3A_42 = arith.constant 0 : i32
      %dma_start3A_43 = tpu.memref_slice %arg10[%add3A_8, %dma_start3A_42] : memref<10240x128xf32, #tpu.memory_space<vmem_shared>> -> memref<128x128xf32, #tpu.memory_space<vmem_shared>>
      tpu.enqueue_dma source(%arg9 : memref<128x128xf32, #tpu.memory_space<vmem>>) target(%dma_start3A_43 : memref<128x128xf32, #tpu.memory_space<vmem_shared>>) target_semaphore(%run_scoped3A : memref<!tpu.dma_semaphore, #tpu.memory_space<semaphore_mem>>)
      %dma_wait3A = arith.constant 0 : i32
      %dma_wait3A_44 = tpu.memref_slice %arg10[%add3A_8, %dma_wait3A] : memref<10240x128xf32, #tpu.memory_space<vmem_shared>> -> memref<128x128xf32, #tpu.memory_space<vmem_shared>>
      %dma_wait3A_45 = arith.constant 0 : i32
      %dma_wait3A_46 = tpu.memref_slice %arg10[%add3A_8, %dma_wait3A_45] : memref<10240x128xf32, #tpu.memory_space<vmem_shared>> -> memref<128x128xf32, #tpu.memory_space<vmem_shared>>
      tpu.wait_dma2 semaphore(%run_scoped3A : memref<!tpu.dma_semaphore, #tpu.memory_space<semaphore_mem>>) src(%arg9 : memref<128x128xf32, #tpu.memory_space<vmem>>) dst(%dma_wait3A_46 : memref<128x128xf32, #tpu.memory_space<vmem_shared>>)
      tpu.yield
    }) : () -> ()
    %add3A_9 = arith.constant 384 : i32
    %add3A_10 = arith.addi %mul3A_2, %add3A_9 : i32
    "tpu.region"() ({
      %run_scoped3A = tpu.sem_alloc : memref<!tpu.dma_semaphore, #tpu.memory_space<semaphore_mem>>
      %dma_start3A = arith.constant 0 : i32
      %dma_start3A_41 = tpu.memref_slice %arg10[%add3A_10, %dma_start3A] : memref<10240x128xf32, #tpu.memory_space<vmem_shared>> -> memref<128x128xf32, #tpu.memory_space<vmem_shared>>
      %dma_start3A_42 = arith.constant 0 : i32
      %dma_start3A_43 = tpu.memref_slice %arg10[%add3A_10, %dma_start3A_42] : memref<10240x128xf32, #tpu.memory_space<vmem_shared>> -> memref<128x128xf32, #tpu.memory_space<vmem_shared>>
      tpu.enqueue_dma source(%arg9 : memref<128x128xf32, #tpu.memory_space<vmem>>) target(%dma_start3A_43 : memref<128x128xf32, #tpu.memory_space<vmem_shared>>) target_semaphore(%run_scoped3A : memref<!tpu.dma_semaphore, #tpu.memory_space<semaphore_mem>>)
      %dma_wait3A = arith.constant 0 : i32
      %dma_wait3A_44 = tpu.memref_slice %arg10[%add3A_10, %dma_wait3A] : memref<10240x128xf32, #tpu.memory_space<vmem_shared>> -> memref<128x128xf32, #tpu.memory_space<vmem_shared>>
      %dma_wait3A_45 = arith.constant 0 : i32
      %dma_wait3A_46 = tpu.memref_slice %arg10[%add3A_10, %dma_wait3A_45] : memref<10240x128xf32, #tpu.memory_space<vmem_shared>> -> memref<128x128xf32, #tpu.memory_space<vmem_shared>>
      tpu.wait_dma2 semaphore(%run_scoped3A : memref<!tpu.dma_semaphore, #tpu.memory_space<semaphore_mem>>) src(%arg9 : memref<128x128xf32, #tpu.memory_space<vmem>>) dst(%dma_wait3A_46 : memref<128x128xf32, #tpu.memory_space<vmem_shared>>)
      tpu.yield
    }) : () -> ()
    %add3A_11 = arith.constant 512 : i32
    %add3A_12 = arith.addi %mul3A_2, %add3A_11 : i32
    "tpu.region"() ({
      %run_scoped3A = tpu.sem_alloc : memref<!tpu.dma_semaphore, #tpu.memory_space<semaphore_mem>>
      %dma_start3A = arith.constant 0 : i32
      %dma_start3A_41 = tpu.memref_slice %arg10[%add3A_12, %dma_start3A] : memref<10240x128xf32, #tpu.memory_space<vmem_shared>> -> memref<128x128xf32, #tpu.memory_space<vmem_shared>>
      %dma_start3A_42 = arith.constant 0 : i32
      %dma_start3A_43 = tpu.memref_slice %arg10[%add3A_12, %dma_start3A_42] : memref<10240x128xf32, #tpu.memory_space<vmem_shared>> -> memref<128x128xf32, #tpu.memory_space<vmem_shared>>
      tpu.enqueue_dma source(%arg9 : memref<128x128xf32, #tpu.memory_space<vmem>>) target(%dma_start3A_43 : memref<128x128xf32, #tpu.memory_space<vmem_shared>>) target_semaphore(%run_scoped3A : memref<!tpu.dma_semaphore, #tpu.memory_space<semaphore_mem>>)
      %dma_wait3A = arith.constant 0 : i32
      %dma_wait3A_44 = tpu.memref_slice %arg10[%add3A_12, %dma_wait3A] : memref<10240x128xf32, #tpu.memory_space<vmem_shared>> -> memref<128x128xf32, #tpu.memory_space<vmem_shared>>
      %dma_wait3A_45 = arith.constant 0 : i32
      %dma_wait3A_46 = tpu.memref_slice %arg10[%add3A_12, %dma_wait3A_45] : memref<10240x128xf32, #tpu.memory_space<vmem_shared>> -> memref<128x128xf32, #tpu.memory_space<vmem_shared>>
      tpu.wait_dma2 semaphore(%run_scoped3A : memref<!tpu.dma_semaphore, #tpu.memory_space<semaphore_mem>>) src(%arg9 : memref<128x128xf32, #tpu.memory_space<vmem>>) dst(%dma_wait3A_46 : memref<128x128xf32, #tpu.memory_space<vmem_shared>>)
      tpu.yield
    }) : () -> ()
    %barrier3A = arith.constant 0 : index
    tpu.barrier barrier_id(%barrier3A)
    %mul3A_13 = arith.constant 10112 : i32
    %mul3A_14 = arith.muli %add3A, %mul3A_13 : i32
    %scan3A = arith.constant 0 : i32
    %scan3A_15 = arith.constant 0 : i32
    %scan3A_16 = arith.constant 79 : i32
    %scan3A_17 = arith.addi %scan3A_15, %scan3A_16 : i32
    %scan3A_18 = arith.constant 1 : i32
    scf.for %scan3A_41 = %scan3A_15 to %scan3A_17 step %scan3A_18  : i32 {
      %mul3A_42 = arith.constant 128 : i32
      %mul3A_43 = arith.muli %scan3A_41, %mul3A_42 : i32
      %add3A_44 = arith.addi %mul3A_14, %mul3A_43 : i32
      "tpu.region"() ({
        %run_scoped3A = tpu.sem_alloc : memref<!tpu.dma_semaphore, #tpu.memory_space<semaphore_mem>>
        %dma_start3A_49 = tpu.memref_slice %arg3[%add3A_44] : memref<323584xi32, #tpu.memory_space<hbm>> -> memref<128xi32, #tpu.memory_space<hbm>>
        %dma_start3A_50 = tpu.memref_slice %arg3[%add3A_44] : memref<323584xi32, #tpu.memory_space<hbm>> -> memref<128xi32, #tpu.memory_space<hbm>>
        tpu.enqueue_dma source(%dma_start3A_50 : memref<128xi32, #tpu.memory_space<hbm>>) target(%arg7 : memref<128xi32, #tpu.memory_space<vmem>>) target_semaphore(%run_scoped3A : memref<!tpu.dma_semaphore, #tpu.memory_space<semaphore_mem>>)
        %dma_wait3A_51 = tpu.memref_slice %arg3[%add3A_44] : memref<323584xi32, #tpu.memory_space<hbm>> -> memref<128xi32, #tpu.memory_space<hbm>>
        %dma_wait3A_52 = tpu.memref_slice %arg3[%add3A_44] : memref<323584xi32, #tpu.memory_space<hbm>> -> memref<128xi32, #tpu.memory_space<hbm>>
        tpu.wait_dma2 semaphore(%run_scoped3A : memref<!tpu.dma_semaphore, #tpu.memory_space<semaphore_mem>>) src(%dma_wait3A_52 : memref<128xi32, #tpu.memory_space<hbm>>) dst(%arg7 : memref<128xi32, #tpu.memory_space<vmem>>)
        tpu.yield
      }) : () -> ()
      %dma_start3A = arith.constant 0 : i32
      %dma_start3A_45 = arith.constant 0 : i32
      %dma_start3A_46 = tpu.memref_slice %arg2[%dma_start3A, %dma_start3A_45] : memref<10240x128xf32, #tpu.memory_space<hbm>> -> memref<10240x128xf32, #tpu.memory_space<hbm>>
      tpu.enqueue_indirect_dma source(%dma_start3A_46 : memref<10240x128xf32, #tpu.memory_space<hbm>>) target(%arg9 : memref<128x128xf32, #tpu.memory_space<vmem>>) offsets(%arg7 : memref<128xi32, #tpu.memory_space<vmem>>) semaphore(%arg11 : memref<!tpu.dma_semaphore, #tpu.memory_space<semaphore_mem>>)
      %dma_wait3A = arith.constant 0 : i32
      %dma_wait3A_47 = arith.constant 0 : i32
      %dma_wait3A_48 = tpu.memref_slice %arg2[%dma_wait3A, %dma_wait3A_47] : memref<10240x128xf32, #tpu.memory_space<hbm>> -> memref<10240x128xf32, #tpu.memory_space<hbm>>
      tpu.wait_indirect_dma semaphore(%arg11 : memref<!tpu.dma_semaphore, #tpu.memory_space<semaphore_mem>>) src(%dma_wait3A_48 : memref<10240x128xf32, #tpu.memory_space<hbm>>) dst(%arg9 : memref<128x128xf32, #tpu.memory_space<vmem>>)
      "tpu.region"() ({
        %run_scoped3A = tpu.sem_alloc : memref<!tpu.dma_semaphore, #tpu.memory_space<semaphore_mem>>
        %dma_start3A_49 = tpu.memref_slice %arg4[%add3A_44] : memref<323584xi32, #tpu.memory_space<hbm>> -> memref<128xi32, #tpu.memory_space<hbm>>
        %dma_start3A_50 = tpu.memref_slice %arg4[%add3A_44] : memref<323584xi32, #tpu.memory_space<hbm>> -> memref<128xi32, #tpu.memory_space<hbm>>
        tpu.enqueue_dma source(%dma_start3A_50 : memref<128xi32, #tpu.memory_space<hbm>>) target(%arg8 : memref<128xi32, #tpu.memory_space<vmem>>) target_semaphore(%run_scoped3A : memref<!tpu.dma_semaphore, #tpu.memory_space<semaphore_mem>>)
        %dma_wait3A_51 = tpu.memref_slice %arg4[%add3A_44] : memref<323584xi32, #tpu.memory_space<hbm>> -> memref<128xi32, #tpu.memory_space<hbm>>
        %dma_wait3A_52 = tpu.memref_slice %arg4[%add3A_44] : memref<323584xi32, #tpu.memory_space<hbm>> -> memref<128xi32, #tpu.memory_space<hbm>>
        tpu.wait_dma2 semaphore(%run_scoped3A : memref<!tpu.dma_semaphore, #tpu.memory_space<semaphore_mem>>) src(%dma_wait3A_52 : memref<128xi32, #tpu.memory_space<hbm>>) dst(%arg8 : memref<128xi32, #tpu.memory_space<vmem>>)
        tpu.yield
      }) : () -> ()
      "tpu.region"() ({
        %run_scoped3A = tpu.sem_alloc : memref<!tpu.dma_semaphore, #tpu.memory_space<semaphore_mem>>
        %dma_start3A_49 = arith.constant 0 : i32
        %dma_start3A_50 = arith.constant 0 : i32
        %dma_start3A_51 = tpu.memref_slice %arg10[%dma_start3A_49, %dma_start3A_50] : memref<10240x128xf32, #tpu.memory_space<vmem_shared>> -> memref<10240x128xf32, #tpu.memory_space<vmem_shared>>
        tpu.enqueue_indirect_dma source(%arg9 : memref<128x128xf32, #tpu.memory_space<vmem>>) target(%dma_start3A_51 : memref<10240x128xf32, #tpu.memory_space<vmem_shared>>) offsets(%arg8 : memref<128xi32, #tpu.memory_space<vmem>>) semaphore(%run_scoped3A : memref<!tpu.dma_semaphore, #tpu.memory_space<semaphore_mem>>) {add = true}
        %dma_wait3A_52 = arith.constant 0 : i32
        %dma_wait3A_53 = arith.constant 0 : i32
        %dma_wait3A_54 = tpu.memref_slice %arg10[%dma_wait3A_52, %dma_wait3A_53] : memref<10240x128xf32, #tpu.memory_space<vmem_shared>> -> memref<10240x128xf32, #tpu.memory_space<vmem_shared>>
        tpu.wait_indirect_dma semaphore(%run_scoped3A : memref<!tpu.dma_semaphore, #tpu.memory_space<semaphore_mem>>) src(%arg9 : memref<128x128xf32, #tpu.memory_space<vmem>>) dst(%dma_wait3A_54 : memref<10240x128xf32, #tpu.memory_space<vmem_shared>>)
        tpu.yield
      }) : () -> ()
    }
    %scan3A_19 = arith.constant 79 : i32
    %barrier3A_20 = arith.constant 0 : index
    tpu.barrier barrier_id(%barrier3A_20)
    %add3A_21 = arith.constant 0 : i32
    %add3A_22 = arith.addi %mul3A_2, %add3A_21 : i32
    "tpu.region"() ({
      %run_scoped3A = tpu.sem_alloc : memref<!tpu.dma_semaphore, #tpu.memory_space<semaphore_mem>>
      %dma_start3A = arith.constant 0 : i32
      %dma_start3A_41 = tpu.memref_slice %arg10[%add3A_22, %dma_start3A] : memref<10240x128xf32, #tpu.memory_space<vmem_shared>> -> memref<128x128xf32, #tpu.memory_space<vmem_shared>>
      %dma_start3A_42 = arith.constant 0 : i32
      %dma_start3A_43 = tpu.memref_slice %arg10[%add3A_22, %dma_start3A_42] : memref<10240x128xf32, #tpu.memory_space<vmem_shared>> -> memref<128x128xf32, #tpu.memory_space<vmem_shared>>
      tpu.enqueue_dma source(%dma_start3A_43 : memref<128x128xf32, #tpu.memory_space<vmem_shared>>) target(%arg9 : memref<128x128xf32, #tpu.memory_space<vmem>>) target_semaphore(%run_scoped3A : memref<!tpu.dma_semaphore, #tpu.memory_space<semaphore_mem>>)
      %dma_wait3A = arith.constant 0 : i32
      %dma_wait3A_44 = tpu.memref_slice %arg10[%add3A_22, %dma_wait3A] : memref<10240x128xf32, #tpu.memory_space<vmem_shared>> -> memref<128x128xf32, #tpu.memory_space<vmem_shared>>
      %dma_wait3A_45 = arith.constant 0 : i32
      %dma_wait3A_46 = tpu.memref_slice %arg10[%add3A_22, %dma_wait3A_45] : memref<10240x128xf32, #tpu.memory_space<vmem_shared>> -> memref<128x128xf32, #tpu.memory_space<vmem_shared>>
      tpu.wait_dma2 semaphore(%run_scoped3A : memref<!tpu.dma_semaphore, #tpu.memory_space<semaphore_mem>>) src(%dma_wait3A_46 : memref<128x128xf32, #tpu.memory_space<vmem_shared>>) dst(%arg9 : memref<128x128xf32, #tpu.memory_space<vmem>>)
      tpu.yield
    }) : () -> ()
    %add3A_23 = arith.constant 0 : i32
    %add3A_24 = arith.addi %mul3A_2, %add3A_23 : i32
    "tpu.region"() ({
      %run_scoped3A = tpu.sem_alloc : memref<!tpu.dma_semaphore, #tpu.memory_space<semaphore_mem>>
      %dma_start3A = arith.constant 0 : i32
      %dma_start3A_41 = tpu.memref_slice %arg6[%arg0, %add3A_24, %dma_start3A] : memref<2x10240x128xf32, #tpu.memory_space<hbm>> -> memref<1x128x128xf32, #tpu.memory_space<hbm>>
      %dma_start3A_42 = tpu.memref_squeeze %dma_start3A_41 : memref<1x128x128xf32, #tpu.memory_space<hbm>> -> memref<128x128xf32, #tpu.memory_space<hbm>>
      %dma_start3A_43 = arith.constant 0 : i32
      %dma_start3A_44 = tpu.memref_slice %arg6[%arg0, %add3A_24, %dma_start3A_43] : memref<2x10240x128xf32, #tpu.memory_space<hbm>> -> memref<1x128x128xf32, #tpu.memory_space<hbm>>
      %dma_start3A_45 = tpu.memref_squeeze %dma_start3A_44 : memref<1x128x128xf32, #tpu.memory_space<hbm>> -> memref<128x128xf32, #tpu.memory_space<hbm>>
      tpu.enqueue_dma source(%arg9 : memref<128x128xf32, #tpu.memory_space<vmem>>) target(%dma_start3A_45 : memref<128x128xf32, #tpu.memory_space<hbm>>) target_semaphore(%run_scoped3A : memref<!tpu.dma_semaphore, #tpu.memory_space<semaphore_mem>>)
      %dma_wait3A = arith.constant 0 : i32
      %dma_wait3A_46 = tpu.memref_slice %arg6[%arg0, %add3A_24, %dma_wait3A] : memref<2x10240x128xf32, #tpu.memory_space<hbm>> -> memref<1x128x128xf32, #tpu.memory_space<hbm>>
      %dma_wait3A_47 = tpu.memref_squeeze %dma_wait3A_46 : memref<1x128x128xf32, #tpu.memory_space<hbm>> -> memref<128x128xf32, #tpu.memory_space<hbm>>
      %dma_wait3A_48 = arith.constant 0 : i32
      %dma_wait3A_49 = tpu.memref_slice %arg6[%arg0, %add3A_24, %dma_wait3A_48] : memref<2x10240x128xf32, #tpu.memory_space<hbm>> -> memref<1x128x128xf32, #tpu.memory_space<hbm>>
      %dma_wait3A_50 = tpu.memref_squeeze %dma_wait3A_49 : memref<1x128x128xf32, #tpu.memory_space<hbm>> -> memref<128x128xf32, #tpu.memory_space<hbm>>
      tpu.wait_dma2 semaphore(%run_scoped3A : memref<!tpu.dma_semaphore, #tpu.memory_space<semaphore_mem>>) src(%arg9 : memref<128x128xf32, #tpu.memory_space<vmem>>) dst(%dma_wait3A_50 : memref<128x128xf32, #tpu.memory_space<hbm>>)
      tpu.yield
    }) : () -> ()
    %add3A_25 = arith.constant 128 : i32
    %add3A_26 = arith.addi %mul3A_2, %add3A_25 : i32
    "tpu.region"() ({
      %run_scoped3A = tpu.sem_alloc : memref<!tpu.dma_semaphore, #tpu.memory_space<semaphore_mem>>
      %dma_start3A = arith.constant 0 : i32
      %dma_start3A_41 = tpu.memref_slice %arg10[%add3A_26, %dma_start3A] : memref<10240x128xf32, #tpu.memory_space<vmem_shared>> -> memref<128x128xf32, #tpu.memory_space<vmem_shared>>
      %dma_start3A_42 = arith.constant 0 : i32
      %dma_start3A_43 = tpu.memref_slice %arg10[%add3A_26, %dma_start3A_42] : memref<10240x128xf32, #tpu.memory_space<vmem_shared>> -> memref<128x128xf32, #tpu.memory_space<vmem_shared>>
      tpu.enqueue_dma source(%dma_start3A_43 : memref<128x128xf32, #tpu.memory_space<vmem_shared>>) target(%arg9 : memref<128x128xf32, #tpu.memory_space<vmem>>) target_semaphore(%run_scoped3A : memref<!tpu.dma_semaphore, #tpu.memory_space<semaphore_mem>>)
      %dma_wait3A = arith.constant 0 : i32
      %dma_wait3A_44 = tpu.memref_slice %arg10[%add3A_26, %dma_wait3A] : memref<10240x128xf32, #tpu.memory_space<vmem_shared>> -> memref<128x128xf32, #tpu.memory_space<vmem_shared>>
      %dma_wait3A_45 = arith.constant 0 : i32
      %dma_wait3A_46 = tpu.memref_slice %arg10[%add3A_26, %dma_wait3A_45] : memref<10240x128xf32, #tpu.memory_space<vmem_shared>> -> memref<128x128xf32, #tpu.memory_space<vmem_shared>>
      tpu.wait_dma2 semaphore(%run_scoped3A : memref<!tpu.dma_semaphore, #tpu.memory_space<semaphore_mem>>) src(%dma_wait3A_46 : memref<128x128xf32, #tpu.memory_space<vmem_shared>>) dst(%arg9 : memref<128x128xf32, #tpu.memory_space<vmem>>)
      tpu.yield
    }) : () -> ()
    %add3A_27 = arith.constant 128 : i32
    %add3A_28 = arith.addi %mul3A_2, %add3A_27 : i32
    "tpu.region"() ({
      %run_scoped3A = tpu.sem_alloc : memref<!tpu.dma_semaphore, #tpu.memory_space<semaphore_mem>>
      %dma_start3A = arith.constant 0 : i32
      %dma_start3A_41 = tpu.memref_slice %arg6[%arg0, %add3A_28, %dma_start3A] : memref<2x10240x128xf32, #tpu.memory_space<hbm>> -> memref<1x128x128xf32, #tpu.memory_space<hbm>>
      %dma_start3A_42 = tpu.memref_squeeze %dma_start3A_41 : memref<1x128x128xf32, #tpu.memory_space<hbm>> -> memref<128x128xf32, #tpu.memory_space<hbm>>
      %dma_start3A_43 = arith.constant 0 : i32
      %dma_start3A_44 = tpu.memref_slice %arg6[%arg0, %add3A_28, %dma_start3A_43] : memref<2x10240x128xf32, #tpu.memory_space<hbm>> -> memref<1x128x128xf32, #tpu.memory_space<hbm>>
      %dma_start3A_45 = tpu.memref_squeeze %dma_start3A_44 : memref<1x128x128xf32, #tpu.memory_space<hbm>> -> memref<128x128xf32, #tpu.memory_space<hbm>>
      tpu.enqueue_dma source(%arg9 : memref<128x128xf32, #tpu.memory_space<vmem>>) target(%dma_start3A_45 : memref<128x128xf32, #tpu.memory_space<hbm>>) target_semaphore(%run_scoped3A : memref<!tpu.dma_semaphore, #tpu.memory_space<semaphore_mem>>)
      %dma_wait3A = arith.constant 0 : i32
      %dma_wait3A_46 = tpu.memref_slice %arg6[%arg0, %add3A_28, %dma_wait3A] : memref<2x10240x128xf32, #tpu.memory_space<hbm>> -> memref<1x128x128xf32, #tpu.memory_space<hbm>>
      %dma_wait3A_47 = tpu.memref_squeeze %dma_wait3A_46 : memref<1x128x128xf32, #tpu.memory_space<hbm>> -> memref<128x128xf32, #tpu.memory_space<hbm>>
      %dma_wait3A_48 = arith.constant 0 : i32
      %dma_wait3A_49 = tpu.memref_slice %arg6[%arg0, %add3A_28, %dma_wait3A_48] : memref<2x10240x128xf32, #tpu.memory_space<hbm>> -> memref<1x128x128xf32, #tpu.memory_space<hbm>>
      %dma_wait3A_50 = tpu.memref_squeeze %dma_wait3A_49 : memref<1x128x128xf32, #tpu.memory_space<hbm>> -> memref<128x128xf32, #tpu.memory_space<hbm>>
      tpu.wait_dma2 semaphore(%run_scoped3A : memref<!tpu.dma_semaphore, #tpu.memory_space<semaphore_mem>>) src(%arg9 : memref<128x128xf32, #tpu.memory_space<vmem>>) dst(%dma_wait3A_50 : memref<128x128xf32, #tpu.memory_space<hbm>>)
      tpu.yield
    }) : () -> ()
    %add3A_29 = arith.constant 256 : i32
    %add3A_30 = arith.addi %mul3A_2, %add3A_29 : i32
    "tpu.region"() ({
      %run_scoped3A = tpu.sem_alloc : memref<!tpu.dma_semaphore, #tpu.memory_space<semaphore_mem>>
      %dma_start3A = arith.constant 0 : i32
      %dma_start3A_41 = tpu.memref_slice %arg10[%add3A_30, %dma_start3A] : memref<10240x128xf32, #tpu.memory_space<vmem_shared>> -> memref<128x128xf32, #tpu.memory_space<vmem_shared>>
      %dma_start3A_42 = arith.constant 0 : i32
      %dma_start3A_43 = tpu.memref_slice %arg10[%add3A_30, %dma_start3A_42] : memref<10240x128xf32, #tpu.memory_space<vmem_shared>> -> memref<128x128xf32, #tpu.memory_space<vmem_shared>>
      tpu.enqueue_dma source(%dma_start3A_43 : memref<128x128xf32, #tpu.memory_space<vmem_shared>>) target(%arg9 : memref<128x128xf32, #tpu.memory_space<vmem>>) target_semaphore(%run_scoped3A : memref<!tpu.dma_semaphore, #tpu.memory_space<semaphore_mem>>)
      %dma_wait3A = arith.constant 0 : i32
      %dma_wait3A_44 = tpu.memref_slice %arg10[%add3A_30, %dma_wait3A] : memref<10240x128xf32, #tpu.memory_space<vmem_shared>> -> memref<128x128xf32, #tpu.memory_space<vmem_shared>>
      %dma_wait3A_45 = arith.constant 0 : i32
      %dma_wait3A_46 = tpu.memref_slice %arg10[%add3A_30, %dma_wait3A_45] : memref<10240x128xf32, #tpu.memory_space<vmem_shared>> -> memref<128x128xf32, #tpu.memory_space<vmem_shared>>
      tpu.wait_dma2 semaphore(%run_scoped3A : memref<!tpu.dma_semaphore, #tpu.memory_space<semaphore_mem>>) src(%dma_wait3A_46 : memref<128x128xf32, #tpu.memory_space<vmem_shared>>) dst(%arg9 : memref<128x128xf32, #tpu.memory_space<vmem>>)
      tpu.yield
    }) : () -> ()
    %add3A_31 = arith.constant 256 : i32
    %add3A_32 = arith.addi %mul3A_2, %add3A_31 : i32
    "tpu.region"() ({
      %run_scoped3A = tpu.sem_alloc : memref<!tpu.dma_semaphore, #tpu.memory_space<semaphore_mem>>
      %dma_start3A = arith.constant 0 : i32
      %dma_start3A_41 = tpu.memref_slice %arg6[%arg0, %add3A_32, %dma_start3A] : memref<2x10240x128xf32, #tpu.memory_space<hbm>> -> memref<1x128x128xf32, #tpu.memory_space<hbm>>
      %dma_start3A_42 = tpu.memref_squeeze %dma_start3A_41 : memref<1x128x128xf32, #tpu.memory_space<hbm>> -> memref<128x128xf32, #tpu.memory_space<hbm>>
      %dma_start3A_43 = arith.constant 0 : i32
      %dma_start3A_44 = tpu.memref_slice %arg6[%arg0, %add3A_32, %dma_start3A_43] : memref<2x10240x128xf32, #tpu.memory_space<hbm>> -> memref<1x128x128xf32, #tpu.memory_space<hbm>>
      %dma_start3A_45 = tpu.memref_squeeze %dma_start3A_44 : memref<1x128x128xf32, #tpu.memory_space<hbm>> -> memref<128x128xf32, #tpu.memory_space<hbm>>
      tpu.enqueue_dma source(%arg9 : memref<128x128xf32, #tpu.memory_space<vmem>>) target(%dma_start3A_45 : memref<128x128xf32, #tpu.memory_space<hbm>>) target_semaphore(%run_scoped3A : memref<!tpu.dma_semaphore, #tpu.memory_space<semaphore_mem>>)
      %dma_wait3A = arith.constant 0 : i32
      %dma_wait3A_46 = tpu.memref_slice %arg6[%arg0, %add3A_32, %dma_wait3A] : memref<2x10240x128xf32, #tpu.memory_space<hbm>> -> memref<1x128x128xf32, #tpu.memory_space<hbm>>
      %dma_wait3A_47 = tpu.memref_squeeze %dma_wait3A_46 : memref<1x128x128xf32, #tpu.memory_space<hbm>> -> memref<128x128xf32, #tpu.memory_space<hbm>>
      %dma_wait3A_48 = arith.constant 0 : i32
      %dma_wait3A_49 = tpu.memref_slice %arg6[%arg0, %add3A_32, %dma_wait3A_48] : memref<2x10240x128xf32, #tpu.memory_space<hbm>> -> memref<1x128x128xf32, #tpu.memory_space<hbm>>
      %dma_wait3A_50 = tpu.memref_squeeze %dma_wait3A_49 : memref<1x128x128xf32, #tpu.memory_space<hbm>> -> memref<128x128xf32, #tpu.memory_space<hbm>>
      tpu.wait_dma2 semaphore(%run_scoped3A : memref<!tpu.dma_semaphore, #tpu.memory_space<semaphore_mem>>) src(%arg9 : memref<128x128xf32, #tpu.memory_space<vmem>>) dst(%dma_wait3A_50 : memref<128x128xf32, #tpu.memory_space<hbm>>)
      tpu.yield
    }) : () -> ()
    %add3A_33 = arith.constant 384 : i32
    %add3A_34 = arith.addi %mul3A_2, %add3A_33 : i32
    "tpu.region"() ({
      %run_scoped3A = tpu.sem_alloc : memref<!tpu.dma_semaphore, #tpu.memory_space<semaphore_mem>>
      %dma_start3A = arith.constant 0 : i32
      %dma_start3A_41 = tpu.memref_slice %arg10[%add3A_34, %dma_start3A] : memref<10240x128xf32, #tpu.memory_space<vmem_shared>> -> memref<128x128xf32, #tpu.memory_space<vmem_shared>>
      %dma_start3A_42 = arith.constant 0 : i32
      %dma_start3A_43 = tpu.memref_slice %arg10[%add3A_34, %dma_start3A_42] : memref<10240x128xf32, #tpu.memory_space<vmem_shared>> -> memref<128x128xf32, #tpu.memory_space<vmem_shared>>
      tpu.enqueue_dma source(%dma_start3A_43 : memref<128x128xf32, #tpu.memory_space<vmem_shared>>) target(%arg9 : memref<128x128xf32, #tpu.memory_space<vmem>>) target_semaphore(%run_scoped3A : memref<!tpu.dma_semaphore, #tpu.memory_space<semaphore_mem>>)
      %dma_wait3A = arith.constant 0 : i32
      %dma_wait3A_44 = tpu.memref_slice %arg10[%add3A_34, %dma_wait3A] : memref<10240x128xf32, #tpu.memory_space<vmem_shared>> -> memref<128x128xf32, #tpu.memory_space<vmem_shared>>
      %dma_wait3A_45 = arith.constant 0 : i32
      %dma_wait3A_46 = tpu.memref_slice %arg10[%add3A_34, %dma_wait3A_45] : memref<10240x128xf32, #tpu.memory_space<vmem_shared>> -> memref<128x128xf32, #tpu.memory_space<vmem_shared>>
      tpu.wait_dma2 semaphore(%run_scoped3A : memref<!tpu.dma_semaphore, #tpu.memory_space<semaphore_mem>>) src(%dma_wait3A_46 : memref<128x128xf32, #tpu.memory_space<vmem_shared>>) dst(%arg9 : memref<128x128xf32, #tpu.memory_space<vmem>>)
      tpu.yield
    }) : () -> ()
    %add3A_35 = arith.constant 384 : i32
    %add3A_36 = arith.addi %mul3A_2, %add3A_35 : i32
    "tpu.region"() ({
      %run_scoped3A = tpu.sem_alloc : memref<!tpu.dma_semaphore, #tpu.memory_space<semaphore_mem>>
      %dma_start3A = arith.constant 0 : i32
      %dma_start3A_41 = tpu.memref_slice %arg6[%arg0, %add3A_36, %dma_start3A] : memref<2x10240x128xf32, #tpu.memory_space<hbm>> -> memref<1x128x128xf32, #tpu.memory_space<hbm>>
      %dma_start3A_42 = tpu.memref_squeeze %dma_start3A_41 : memref<1x128x128xf32, #tpu.memory_space<hbm>> -> memref<128x128xf32, #tpu.memory_space<hbm>>
      %dma_start3A_43 = arith.constant 0 : i32
      %dma_start3A_44 = tpu.memref_slice %arg6[%arg0, %add3A_36, %dma_start3A_43] : memref<2x10240x128xf32, #tpu.memory_space<hbm>> -> memref<1x128x128xf32, #tpu.memory_space<hbm>>
      %dma_start3A_45 = tpu.memref_squeeze %dma_start3A_44 : memref<1x128x128xf32, #tpu.memory_space<hbm>> -> memref<128x128xf32, #tpu.memory_space<hbm>>
      tpu.enqueue_dma source(%arg9 : memref<128x128xf32, #tpu.memory_space<vmem>>) target(%dma_start3A_45 : memref<128x128xf32, #tpu.memory_space<hbm>>) target_semaphore(%run_scoped3A : memref<!tpu.dma_semaphore, #tpu.memory_space<semaphore_mem>>)
      %dma_wait3A = arith.constant 0 : i32
      %dma_wait3A_46 = tpu.memref_slice %arg6[%arg0, %add3A_36, %dma_wait3A] : memref<2x10240x128xf32, #tpu.memory_space<hbm>> -> memref<1x128x128xf32, #tpu.memory_space<hbm>>
      %dma_wait3A_47 = tpu.memref_squeeze %dma_wait3A_46 : memref<1x128x128xf32, #tpu.memory_space<hbm>> -> memref<128x128xf32, #tpu.memory_space<hbm>>
      %dma_wait3A_48 = arith.constant 0 : i32
      %dma_wait3A_49 = tpu.memref_slice %arg6[%arg0, %add3A_36, %dma_wait3A_48] : memref<2x10240x128xf32, #tpu.memory_space<hbm>> -> memref<1x128x128xf32, #tpu.memory_space<hbm>>
      %dma_wait3A_50 = tpu.memref_squeeze %dma_wait3A_49 : memref<1x128x128xf32, #tpu.memory_space<hbm>> -> memref<128x128xf32, #tpu.memory_space<hbm>>
      tpu.wait_dma2 semaphore(%run_scoped3A : memref<!tpu.dma_semaphore, #tpu.memory_space<semaphore_mem>>) src(%arg9 : memref<128x128xf32, #tpu.memory_space<vmem>>) dst(%dma_wait3A_50 : memref<128x128xf32, #tpu.memory_space<hbm>>)
      tpu.yield
    }) : () -> ()
    %add3A_37 = arith.constant 512 : i32
    %add3A_38 = arith.addi %mul3A_2, %add3A_37 : i32
    "tpu.region"() ({
      %run_scoped3A = tpu.sem_alloc : memref<!tpu.dma_semaphore, #tpu.memory_space<semaphore_mem>>
      %dma_start3A = arith.constant 0 : i32
      %dma_start3A_41 = tpu.memref_slice %arg10[%add3A_38, %dma_start3A] : memref<10240x128xf32, #tpu.memory_space<vmem_shared>> -> memref<128x128xf32, #tpu.memory_space<vmem_shared>>
      %dma_start3A_42 = arith.constant 0 : i32
      %dma_start3A_43 = tpu.memref_slice %arg10[%add3A_38, %dma_start3A_42] : memref<10240x128xf32, #tpu.memory_space<vmem_shared>> -> memref<128x128xf32, #tpu.memory_space<vmem_shared>>
      tpu.enqueue_dma source(%dma_start3A_43 : memref<128x128xf32, #tpu.memory_space<vmem_shared>>) target(%arg9 : memref<128x128xf32, #tpu.memory_space<vmem>>) target_semaphore(%run_scoped3A : memref<!tpu.dma_semaphore, #tpu.memory_space<semaphore_mem>>)
      %dma_wait3A = arith.constant 0 : i32
      %dma_wait3A_44 = tpu.memref_slice %arg10[%add3A_38, %dma_wait3A] : memref<10240x128xf32, #tpu.memory_space<vmem_shared>> -> memref<128x128xf32, #tpu.memory_space<vmem_shared>>
      %dma_wait3A_45 = arith.constant 0 : i32
      %dma_wait3A_46 = tpu.memref_slice %arg10[%add3A_38, %dma_wait3A_45] : memref<10240x128xf32, #tpu.memory_space<vmem_shared>> -> memref<128x128xf32, #tpu.memory_space<vmem_shared>>
      tpu.wait_dma2 semaphore(%run_scoped3A : memref<!tpu.dma_semaphore, #tpu.memory_space<semaphore_mem>>) src(%dma_wait3A_46 : memref<128x128xf32, #tpu.memory_space<vmem_shared>>) dst(%arg9 : memref<128x128xf32, #tpu.memory_space<vmem>>)
      tpu.yield
    }) : () -> ()
    %add3A_39 = arith.constant 512 : i32
    %add3A_40 = arith.addi %mul3A_2, %add3A_39 : i32
    "tpu.region"() ({
      %run_scoped3A = tpu.sem_alloc : memref<!tpu.dma_semaphore, #tpu.memory_space<semaphore_mem>>
      %dma_start3A = arith.constant 0 : i32
      %dma_start3A_41 = tpu.memref_slice %arg6[%arg0, %add3A_40, %dma_start3A] : memref<2x10240x128xf32, #tpu.memory_space<hbm>> -> memref<1x128x128xf32, #tpu.memory_space<hbm>>
      %dma_start3A_42 = tpu.memref_squeeze %dma_start3A_41 : memref<1x128x128xf32, #tpu.memory_space<hbm>> -> memref<128x128xf32, #tpu.memory_space<hbm>>
      %dma_start3A_43 = arith.constant 0 : i32
      %dma_start3A_44 = tpu.memref_slice %arg6[%arg0, %add3A_40, %dma_start3A_43] : memref<2x10240x128xf32, #tpu.memory_space<hbm>> -> memref<1x128x128xf32, #tpu.memory_space<hbm>>
      %dma_start3A_45 = tpu.memref_squeeze %dma_start3A_44 : memref<1x128x128xf32, #tpu.memory_space<hbm>> -> memref<128x128xf32, #tpu.memory_space<hbm>>
      tpu.enqueue_dma source(%arg9 : memref<128x128xf32, #tpu.memory_space<vmem>>) target(%dma_start3A_45 : memref<128x128xf32, #tpu.memory_space<hbm>>) target_semaphore(%run_scoped3A : memref<!tpu.dma_semaphore, #tpu.memory_space<semaphore_mem>>)
      %dma_wait3A = arith.constant 0 : i32
      %dma_wait3A_46 = tpu.memref_slice %arg6[%arg0, %add3A_40, %dma_wait3A] : memref<2x10240x128xf32, #tpu.memory_space<hbm>> -> memref<1x128x128xf32, #tpu.memory_space<hbm>>
      %dma_wait3A_47 = tpu.memref_squeeze %dma_wait3A_46 : memref<1x128x128xf32, #tpu.memory_space<hbm>> -> memref<128x128xf32, #tpu.memory_space<hbm>>
      %dma_wait3A_48 = arith.constant 0 : i32
      %dma_wait3A_49 = tpu.memref_slice %arg6[%arg0, %add3A_40, %dma_wait3A_48] : memref<2x10240x128xf32, #tpu.memory_space<hbm>> -> memref<1x128x128xf32, #tpu.memory_space<hbm>>
      %dma_wait3A_50 = tpu.memref_squeeze %dma_wait3A_49 : memref<1x128x128xf32, #tpu.memory_space<hbm>> -> memref<128x128xf32, #tpu.memory_space<hbm>>
      tpu.wait_dma2 semaphore(%run_scoped3A : memref<!tpu.dma_semaphore, #tpu.memory_space<semaphore_mem>>) src(%arg9 : memref<128x128xf32, #tpu.memory_space<vmem>>) dst(%dma_wait3A_50 : memref<128x128xf32, #tpu.memory_space<hbm>>)
      tpu.yield
    }) : () -> ()
    return
  }
}

#map = affine_map<(d0, d1) -> (0)>
#map1 = affine_map<(d0, d1) -> (0, 0, 0)>
module attributes {stable_mosaic.version = 14 : i64} {
  func.func @_sc_degrees(%arg0: i32, %arg1: i32, %arg2: memref<323584xi32, #tpu.memory_space<hbm>>, %arg3: memref<323584xi32, #tpu.memory_space<hbm>>, %arg4: memref<128xf32, #tpu.memory_space<hbm>>, %arg5: memref<640xf32, #tpu.memory_space<hbm>>, %arg6: memref<2x2x10240xf32, #tpu.memory_space<hbm>>, %arg7: memref<128xi32, #tpu.memory_space<vmem>>, %arg8: memref<128xf32, #tpu.memory_space<vmem>>, %arg9: memref<640xf32, #tpu.memory_space<vmem>>, %arg10: memref<10240xf32, #tpu.memory_space<vmem_shared>>, %arg11: memref<10240xf32, #tpu.memory_space<vmem_shared>>) attributes {dimension_semantics = [#tpu.dimension_semantics<core_parallel>, #tpu.dimension_semantics<subcore_parallel>], iteration_bounds = array<i64: 2, 16>, scalar_prefetch = 0 : i64, scratch_operands = 5 : i64, tpu.core_type = #tpu.core_type<sc_vector_subcore>, window_params = [{transform_indices = #map}, {transform_indices = #map}, {transform_indices = #map}, {transform_indices = #map}, {transform_indices = #map1}]} {
    %mul3A = arith.constant 2 : i32
    %mul3A_0 = arith.muli %arg1, %mul3A : i32
    %add3A = arith.addi %mul3A_0, %arg0 : i32
    "tpu.region"() ({
      %run_scoped3A_12 = tpu.sem_alloc : memref<!tpu.dma_semaphore, #tpu.memory_space<semaphore_mem>>
      tpu.enqueue_dma source(%arg4 : memref<128xf32, #tpu.memory_space<hbm>>) target(%arg8 : memref<128xf32, #tpu.memory_space<vmem>>) target_semaphore(%run_scoped3A_12 : memref<!tpu.dma_semaphore, #tpu.memory_space<semaphore_mem>>)
      tpu.wait_dma2 semaphore(%run_scoped3A_12 : memref<!tpu.dma_semaphore, #tpu.memory_space<semaphore_mem>>) src(%arg4 : memref<128xf32, #tpu.memory_space<hbm>>) dst(%arg8 : memref<128xf32, #tpu.memory_space<vmem>>)
      tpu.yield
    }) : () -> ()
    "tpu.region"() ({
      %run_scoped3A_12 = tpu.sem_alloc : memref<!tpu.dma_semaphore, #tpu.memory_space<semaphore_mem>>
      tpu.enqueue_dma source(%arg5 : memref<640xf32, #tpu.memory_space<hbm>>) target(%arg9 : memref<640xf32, #tpu.memory_space<vmem>>) target_semaphore(%run_scoped3A_12 : memref<!tpu.dma_semaphore, #tpu.memory_space<semaphore_mem>>)
      tpu.wait_dma2 semaphore(%run_scoped3A_12 : memref<!tpu.dma_semaphore, #tpu.memory_space<semaphore_mem>>) src(%arg5 : memref<640xf32, #tpu.memory_space<hbm>>) dst(%arg9 : memref<640xf32, #tpu.memory_space<vmem>>)
      tpu.yield
    }) : () -> ()
    %mul3A_1 = arith.constant 640 : i32
    %mul3A_2 = arith.muli %arg1, %mul3A_1 : i32
    "tpu.region"() ({
      %run_scoped3A_12 = tpu.sem_alloc : memref<!tpu.dma_semaphore, #tpu.memory_space<semaphore_mem>>
      %dma_start3A = tpu.memref_slice %arg10[%mul3A_2] : memref<10240xf32, #tpu.memory_space<vmem_shared>> -> memref<640xf32, #tpu.memory_space<vmem_shared>>
      %dma_start3A_13 = tpu.memref_slice %arg10[%mul3A_2] : memref<10240xf32, #tpu.memory_space<vmem_shared>> -> memref<640xf32, #tpu.memory_space<vmem_shared>>
      tpu.enqueue_dma source(%arg9 : memref<640xf32, #tpu.memory_space<vmem>>) target(%dma_start3A_13 : memref<640xf32, #tpu.memory_space<vmem_shared>>) target_semaphore(%run_scoped3A_12 : memref<!tpu.dma_semaphore, #tpu.memory_space<semaphore_mem>>)
      %dma_wait3A = tpu.memref_slice %arg10[%mul3A_2] : memref<10240xf32, #tpu.memory_space<vmem_shared>> -> memref<640xf32, #tpu.memory_space<vmem_shared>>
      %dma_wait3A_14 = tpu.memref_slice %arg10[%mul3A_2] : memref<10240xf32, #tpu.memory_space<vmem_shared>> -> memref<640xf32, #tpu.memory_space<vmem_shared>>
      tpu.wait_dma2 semaphore(%run_scoped3A_12 : memref<!tpu.dma_semaphore, #tpu.memory_space<semaphore_mem>>) src(%arg9 : memref<640xf32, #tpu.memory_space<vmem>>) dst(%dma_wait3A_14 : memref<640xf32, #tpu.memory_space<vmem_shared>>)
      tpu.yield
    }) : () -> ()
    "tpu.region"() ({
      %run_scoped3A_12 = tpu.sem_alloc : memref<!tpu.dma_semaphore, #tpu.memory_space<semaphore_mem>>
      %dma_start3A = tpu.memref_slice %arg11[%mul3A_2] : memref<10240xf32, #tpu.memory_space<vmem_shared>> -> memref<640xf32, #tpu.memory_space<vmem_shared>>
      %dma_start3A_13 = tpu.memref_slice %arg11[%mul3A_2] : memref<10240xf32, #tpu.memory_space<vmem_shared>> -> memref<640xf32, #tpu.memory_space<vmem_shared>>
      tpu.enqueue_dma source(%arg9 : memref<640xf32, #tpu.memory_space<vmem>>) target(%dma_start3A_13 : memref<640xf32, #tpu.memory_space<vmem_shared>>) target_semaphore(%run_scoped3A_12 : memref<!tpu.dma_semaphore, #tpu.memory_space<semaphore_mem>>)
      %dma_wait3A = tpu.memref_slice %arg11[%mul3A_2] : memref<10240xf32, #tpu.memory_space<vmem_shared>> -> memref<640xf32, #tpu.memory_space<vmem_shared>>
      %dma_wait3A_14 = tpu.memref_slice %arg11[%mul3A_2] : memref<10240xf32, #tpu.memory_space<vmem_shared>> -> memref<640xf32, #tpu.memory_space<vmem_shared>>
      tpu.wait_dma2 semaphore(%run_scoped3A_12 : memref<!tpu.dma_semaphore, #tpu.memory_space<semaphore_mem>>) src(%arg9 : memref<640xf32, #tpu.memory_space<vmem>>) dst(%dma_wait3A_14 : memref<640xf32, #tpu.memory_space<vmem_shared>>)
      tpu.yield
    }) : () -> ()
    %barrier3A = arith.constant 0 : index
    tpu.barrier barrier_id(%barrier3A)
    %mul3A_3 = arith.constant 10112 : i32
    %mul3A_4 = arith.muli %add3A, %mul3A_3 : i32
    %scan3A = arith.constant 0 : i32
    %scan3A_5 = arith.constant 0 : i32
    %scan3A_6 = arith.constant 79 : i32
    %scan3A_7 = arith.addi %scan3A_5, %scan3A_6 : i32
    %scan3A_8 = arith.constant 1 : i32
    scf.for %scan3A_12 = %scan3A_5 to %scan3A_7 step %scan3A_8  : i32 {
      %mul3A_13 = arith.constant 128 : i32
      %mul3A_14 = arith.muli %scan3A_12, %mul3A_13 : i32
      %add3A_15 = arith.addi %mul3A_4, %mul3A_14 : i32
      "tpu.region"() ({
        %run_scoped3A_16 = tpu.sem_alloc : memref<!tpu.dma_semaphore, #tpu.memory_space<semaphore_mem>>
        %dma_start3A = tpu.memref_slice %arg2[%add3A_15] : memref<323584xi32, #tpu.memory_space<hbm>> -> memref<128xi32, #tpu.memory_space<hbm>>
        %dma_start3A_17 = tpu.memref_slice %arg2[%add3A_15] : memref<323584xi32, #tpu.memory_space<hbm>> -> memref<128xi32, #tpu.memory_space<hbm>>
        tpu.enqueue_dma source(%dma_start3A_17 : memref<128xi32, #tpu.memory_space<hbm>>) target(%arg7 : memref<128xi32, #tpu.memory_space<vmem>>) target_semaphore(%run_scoped3A_16 : memref<!tpu.dma_semaphore, #tpu.memory_space<semaphore_mem>>)
        %dma_wait3A = tpu.memref_slice %arg2[%add3A_15] : memref<323584xi32, #tpu.memory_space<hbm>> -> memref<128xi32, #tpu.memory_space<hbm>>
        %dma_wait3A_18 = tpu.memref_slice %arg2[%add3A_15] : memref<323584xi32, #tpu.memory_space<hbm>> -> memref<128xi32, #tpu.memory_space<hbm>>
        tpu.wait_dma2 semaphore(%run_scoped3A_16 : memref<!tpu.dma_semaphore, #tpu.memory_space<semaphore_mem>>) src(%dma_wait3A_18 : memref<128xi32, #tpu.memory_space<hbm>>) dst(%arg7 : memref<128xi32, #tpu.memory_space<vmem>>)
        tpu.yield
      }) : () -> ()
      "tpu.region"() ({
        %run_scoped3A_16 = tpu.sem_alloc : memref<!tpu.dma_semaphore, #tpu.memory_space<semaphore_mem>>
        %dma_start3A = arith.constant 0 : i32
        %dma_start3A_17 = tpu.memref_slice %arg10[%dma_start3A] : memref<10240xf32, #tpu.memory_space<vmem_shared>> -> memref<10240xf32, #tpu.memory_space<vmem_shared>>
        tpu.enqueue_indirect_dma source(%arg8 : memref<128xf32, #tpu.memory_space<vmem>>) target(%dma_start3A_17 : memref<10240xf32, #tpu.memory_space<vmem_shared>>) offsets(%arg7 : memref<128xi32, #tpu.memory_space<vmem>>) semaphore(%run_scoped3A_16 : memref<!tpu.dma_semaphore, #tpu.memory_space<semaphore_mem>>) {add = true}
        %dma_wait3A = arith.constant 0 : i32
        %dma_wait3A_18 = tpu.memref_slice %arg10[%dma_wait3A] : memref<10240xf32, #tpu.memory_space<vmem_shared>> -> memref<10240xf32, #tpu.memory_space<vmem_shared>>
        tpu.wait_indirect_dma semaphore(%run_scoped3A_16 : memref<!tpu.dma_semaphore, #tpu.memory_space<semaphore_mem>>) src(%arg8 : memref<128xf32, #tpu.memory_space<vmem>>) dst(%dma_wait3A_18 : memref<10240xf32, #tpu.memory_space<vmem_shared>>)
        tpu.yield
      }) : () -> ()
      "tpu.region"() ({
        %run_scoped3A_16 = tpu.sem_alloc : memref<!tpu.dma_semaphore, #tpu.memory_space<semaphore_mem>>
        %dma_start3A = tpu.memref_slice %arg3[%add3A_15] : memref<323584xi32, #tpu.memory_space<hbm>> -> memref<128xi32, #tpu.memory_space<hbm>>
        %dma_start3A_17 = tpu.memref_slice %arg3[%add3A_15] : memref<323584xi32, #tpu.memory_space<hbm>> -> memref<128xi32, #tpu.memory_space<hbm>>
        tpu.enqueue_dma source(%dma_start3A_17 : memref<128xi32, #tpu.memory_space<hbm>>) target(%arg7 : memref<128xi32, #tpu.memory_space<vmem>>) target_semaphore(%run_scoped3A_16 : memref<!tpu.dma_semaphore, #tpu.memory_space<semaphore_mem>>)
        %dma_wait3A = tpu.memref_slice %arg3[%add3A_15] : memref<323584xi32, #tpu.memory_space<hbm>> -> memref<128xi32, #tpu.memory_space<hbm>>
        %dma_wait3A_18 = tpu.memref_slice %arg3[%add3A_15] : memref<323584xi32, #tpu.memory_space<hbm>> -> memref<128xi32, #tpu.memory_space<hbm>>
        tpu.wait_dma2 semaphore(%run_scoped3A_16 : memref<!tpu.dma_semaphore, #tpu.memory_space<semaphore_mem>>) src(%dma_wait3A_18 : memref<128xi32, #tpu.memory_space<hbm>>) dst(%arg7 : memref<128xi32, #tpu.memory_space<vmem>>)
        tpu.yield
      }) : () -> ()
      "tpu.region"() ({
        %run_scoped3A_16 = tpu.sem_alloc : memref<!tpu.dma_semaphore, #tpu.memory_space<semaphore_mem>>
        %dma_start3A = arith.constant 0 : i32
        %dma_start3A_17 = tpu.memref_slice %arg11[%dma_start3A] : memref<10240xf32, #tpu.memory_space<vmem_shared>> -> memref<10240xf32, #tpu.memory_space<vmem_shared>>
        tpu.enqueue_indirect_dma source(%arg8 : memref<128xf32, #tpu.memory_space<vmem>>) target(%dma_start3A_17 : memref<10240xf32, #tpu.memory_space<vmem_shared>>) offsets(%arg7 : memref<128xi32, #tpu.memory_space<vmem>>) semaphore(%run_scoped3A_16 : memref<!tpu.dma_semaphore, #tpu.memory_space<semaphore_mem>>) {add = true}
        %dma_wait3A = arith.constant 0 : i32
        %dma_wait3A_18 = tpu.memref_slice %arg11[%dma_wait3A] : memref<10240xf32, #tpu.memory_space<vmem_shared>> -> memref<10240xf32, #tpu.memory_space<vmem_shared>>
        tpu.wait_indirect_dma semaphore(%run_scoped3A_16 : memref<!tpu.dma_semaphore, #tpu.memory_space<semaphore_mem>>) src(%arg8 : memref<128xf32, #tpu.memory_space<vmem>>) dst(%dma_wait3A_18 : memref<10240xf32, #tpu.memory_space<vmem_shared>>)
        tpu.yield
      }) : () -> ()
    }
    %scan3A_9 = arith.constant 79 : i32
    %barrier3A_10 = arith.constant 0 : index
    tpu.barrier barrier_id(%barrier3A_10)
    "tpu.region"() ({
      %run_scoped3A_12 = tpu.sem_alloc : memref<!tpu.dma_semaphore, #tpu.memory_space<semaphore_mem>>
      %dma_start3A = tpu.memref_slice %arg10[%mul3A_2] : memref<10240xf32, #tpu.memory_space<vmem_shared>> -> memref<640xf32, #tpu.memory_space<vmem_shared>>
      %dma_start3A_13 = tpu.memref_slice %arg10[%mul3A_2] : memref<10240xf32, #tpu.memory_space<vmem_shared>> -> memref<640xf32, #tpu.memory_space<vmem_shared>>
      tpu.enqueue_dma source(%dma_start3A_13 : memref<640xf32, #tpu.memory_space<vmem_shared>>) target(%arg9 : memref<640xf32, #tpu.memory_space<vmem>>) target_semaphore(%run_scoped3A_12 : memref<!tpu.dma_semaphore, #tpu.memory_space<semaphore_mem>>)
      %dma_wait3A = tpu.memref_slice %arg10[%mul3A_2] : memref<10240xf32, #tpu.memory_space<vmem_shared>> -> memref<640xf32, #tpu.memory_space<vmem_shared>>
      %dma_wait3A_14 = tpu.memref_slice %arg10[%mul3A_2] : memref<10240xf32, #tpu.memory_space<vmem_shared>> -> memref<640xf32, #tpu.memory_space<vmem_shared>>
      tpu.wait_dma2 semaphore(%run_scoped3A_12 : memref<!tpu.dma_semaphore, #tpu.memory_space<semaphore_mem>>) src(%dma_wait3A_14 : memref<640xf32, #tpu.memory_space<vmem_shared>>) dst(%arg9 : memref<640xf32, #tpu.memory_space<vmem>>)
      tpu.yield
    }) : () -> ()
    %run_scoped3A = arith.constant 0 : i32
    "tpu.region"() ({
      %run_scoped3A_12 = tpu.sem_alloc : memref<!tpu.dma_semaphore, #tpu.memory_space<semaphore_mem>>
      %dma_start3A = tpu.memref_slice %arg6[%arg0, %run_scoped3A, %mul3A_2] : memref<2x2x10240xf32, #tpu.memory_space<hbm>> -> memref<1x1x640xf32, #tpu.memory_space<hbm>>
      %dma_start3A_13 = tpu.memref_squeeze %dma_start3A : memref<1x1x640xf32, #tpu.memory_space<hbm>> -> memref<640xf32, #tpu.memory_space<hbm>>
      %dma_start3A_14 = tpu.memref_slice %arg6[%arg0, %run_scoped3A, %mul3A_2] : memref<2x2x10240xf32, #tpu.memory_space<hbm>> -> memref<1x1x640xf32, #tpu.memory_space<hbm>>
      %dma_start3A_15 = tpu.memref_squeeze %dma_start3A_14 : memref<1x1x640xf32, #tpu.memory_space<hbm>> -> memref<640xf32, #tpu.memory_space<hbm>>
      tpu.enqueue_dma source(%arg9 : memref<640xf32, #tpu.memory_space<vmem>>) target(%dma_start3A_15 : memref<640xf32, #tpu.memory_space<hbm>>) target_semaphore(%run_scoped3A_12 : memref<!tpu.dma_semaphore, #tpu.memory_space<semaphore_mem>>)
      %dma_wait3A = tpu.memref_slice %arg6[%arg0, %run_scoped3A, %mul3A_2] : memref<2x2x10240xf32, #tpu.memory_space<hbm>> -> memref<1x1x640xf32, #tpu.memory_space<hbm>>
      %dma_wait3A_16 = tpu.memref_squeeze %dma_wait3A : memref<1x1x640xf32, #tpu.memory_space<hbm>> -> memref<640xf32, #tpu.memory_space<hbm>>
      %dma_wait3A_17 = tpu.memref_slice %arg6[%arg0, %run_scoped3A, %mul3A_2] : memref<2x2x10240xf32, #tpu.memory_space<hbm>> -> memref<1x1x640xf32, #tpu.memory_space<hbm>>
      %dma_wait3A_18 = tpu.memref_squeeze %dma_wait3A_17 : memref<1x1x640xf32, #tpu.memory_space<hbm>> -> memref<640xf32, #tpu.memory_space<hbm>>
      tpu.wait_dma2 semaphore(%run_scoped3A_12 : memref<!tpu.dma_semaphore, #tpu.memory_space<semaphore_mem>>) src(%arg9 : memref<640xf32, #tpu.memory_space<vmem>>) dst(%dma_wait3A_18 : memref<640xf32, #tpu.memory_space<hbm>>)
      tpu.yield
    }) : () -> ()
    "tpu.region"() ({
      %run_scoped3A_12 = tpu.sem_alloc : memref<!tpu.dma_semaphore, #tpu.memory_space<semaphore_mem>>
      %dma_start3A = tpu.memref_slice %arg11[%mul3A_2] : memref<10240xf32, #tpu.memory_space<vmem_shared>> -> memref<640xf32, #tpu.memory_space<vmem_shared>>
      %dma_start3A_13 = tpu.memref_slice %arg11[%mul3A_2] : memref<10240xf32, #tpu.memory_space<vmem_shared>> -> memref<640xf32, #tpu.memory_space<vmem_shared>>
      tpu.enqueue_dma source(%dma_start3A_13 : memref<640xf32, #tpu.memory_space<vmem_shared>>) target(%arg9 : memref<640xf32, #tpu.memory_space<vmem>>) target_semaphore(%run_scoped3A_12 : memref<!tpu.dma_semaphore, #tpu.memory_space<semaphore_mem>>)
      %dma_wait3A = tpu.memref_slice %arg11[%mul3A_2] : memref<10240xf32, #tpu.memory_space<vmem_shared>> -> memref<640xf32, #tpu.memory_space<vmem_shared>>
      %dma_wait3A_14 = tpu.memref_slice %arg11[%mul3A_2] : memref<10240xf32, #tpu.memory_space<vmem_shared>> -> memref<640xf32, #tpu.memory_space<vmem_shared>>
      tpu.wait_dma2 semaphore(%run_scoped3A_12 : memref<!tpu.dma_semaphore, #tpu.memory_space<semaphore_mem>>) src(%dma_wait3A_14 : memref<640xf32, #tpu.memory_space<vmem_shared>>) dst(%arg9 : memref<640xf32, #tpu.memory_space<vmem>>)
      tpu.yield
    }) : () -> ()
    %run_scoped3A_11 = arith.constant 1 : i32
    "tpu.region"() ({
      %run_scoped3A_12 = tpu.sem_alloc : memref<!tpu.dma_semaphore, #tpu.memory_space<semaphore_mem>>
      %dma_start3A = tpu.memref_slice %arg6[%arg0, %run_scoped3A_11, %mul3A_2] : memref<2x2x10240xf32, #tpu.memory_space<hbm>> -> memref<1x1x640xf32, #tpu.memory_space<hbm>>
      %dma_start3A_13 = tpu.memref_squeeze %dma_start3A : memref<1x1x640xf32, #tpu.memory_space<hbm>> -> memref<640xf32, #tpu.memory_space<hbm>>
      %dma_start3A_14 = tpu.memref_slice %arg6[%arg0, %run_scoped3A_11, %mul3A_2] : memref<2x2x10240xf32, #tpu.memory_space<hbm>> -> memref<1x1x640xf32, #tpu.memory_space<hbm>>
      %dma_start3A_15 = tpu.memref_squeeze %dma_start3A_14 : memref<1x1x640xf32, #tpu.memory_space<hbm>> -> memref<640xf32, #tpu.memory_space<hbm>>
      tpu.enqueue_dma source(%arg9 : memref<640xf32, #tpu.memory_space<vmem>>) target(%dma_start3A_15 : memref<640xf32, #tpu.memory_space<hbm>>) target_semaphore(%run_scoped3A_12 : memref<!tpu.dma_semaphore, #tpu.memory_space<semaphore_mem>>)
      %dma_wait3A = tpu.memref_slice %arg6[%arg0, %run_scoped3A_11, %mul3A_2] : memref<2x2x10240xf32, #tpu.memory_space<hbm>> -> memref<1x1x640xf32, #tpu.memory_space<hbm>>
      %dma_wait3A_16 = tpu.memref_squeeze %dma_wait3A : memref<1x1x640xf32, #tpu.memory_space<hbm>> -> memref<640xf32, #tpu.memory_space<hbm>>
      %dma_wait3A_17 = tpu.memref_slice %arg6[%arg0, %run_scoped3A_11, %mul3A_2] : memref<2x2x10240xf32, #tpu.memory_space<hbm>> -> memref<1x1x640xf32, #tpu.memory_space<hbm>>
      %dma_wait3A_18 = tpu.memref_squeeze %dma_wait3A_17 : memref<1x1x640xf32, #tpu.memory_space<hbm>> -> memref<640xf32, #tpu.memory_space<hbm>>
      tpu.wait_dma2 semaphore(%run_scoped3A_12 : memref<!tpu.dma_semaphore, #tpu.memory_space<semaphore_mem>>) src(%arg9 : memref<640xf32, #tpu.memory_space<vmem>>) dst(%dma_wait3A_18 : memref<640xf32, #tpu.memory_space<hbm>>)
      tpu.yield
    }) : () -> ()
    return
  }
}

#map = affine_map<(d0, d1) -> (0, 0)>
#map1 = affine_map<(d0, d1) -> (0)>
#map2 = affine_map<(d0, d1) -> (0, 0, 0)>
module attributes {stable_mosaic.version = 14 : i64} {
  func.func @_sc_edge_scatter(%arg0: i32, %arg1: i32, %arg2: memref<10240x128xf32, #tpu.memory_space<hbm>>, %arg3: memref<323584xi32, #tpu.memory_space<hbm>>, %arg4: memref<323584xi32, #tpu.memory_space<hbm>>, %arg5: memref<128x128xf32, #tpu.memory_space<hbm>>, %arg6: memref<2x10240x128xf32, #tpu.memory_space<hbm>>, %arg7: memref<128xi32, #tpu.memory_space<vmem>>, %arg8: memref<128xi32, #tpu.memory_space<vmem>>, %arg9: memref<128x128xf32, #tpu.memory_space<vmem>>, %arg10: memref<10240x128xf32, #tpu.memory_space<vmem_shared>>, %arg11: memref<!tpu.dma_semaphore, #tpu.memory_space<semaphore_mem>>) attributes {dimension_semantics = [#tpu.dimension_semantics<core_parallel>, #tpu.dimension_semantics<subcore_parallel>], iteration_bounds = array<i64: 2, 16>, scalar_prefetch = 0 : i64, scratch_operands = 5 : i64, tpu.core_type = #tpu.core_type<sc_vector_subcore>, window_params = [{transform_indices = #map}, {transform_indices = #map1}, {transform_indices = #map1}, {transform_indices = #map}, {transform_indices = #map2}]} {
    %mul3A = arith.constant 2 : i32
    %mul3A_0 = arith.muli %arg1, %mul3A : i32
    %add3A = arith.addi %mul3A_0, %arg0 : i32
    %mul3A_1 = arith.constant 640 : i32
    %mul3A_2 = arith.muli %arg1, %mul3A_1 : i32
    "tpu.region"() ({
      %run_scoped3A = tpu.sem_alloc : memref<!tpu.dma_semaphore, #tpu.memory_space<semaphore_mem>>
      tpu.enqueue_dma source(%arg5 : memref<128x128xf32, #tpu.memory_space<hbm>>) target(%arg9 : memref<128x128xf32, #tpu.memory_space<vmem>>) target_semaphore(%run_scoped3A : memref<!tpu.dma_semaphore, #tpu.memory_space<semaphore_mem>>)
      tpu.wait_dma2 semaphore(%run_scoped3A : memref<!tpu.dma_semaphore, #tpu.memory_space<semaphore_mem>>) src(%arg5 : memref<128x128xf32, #tpu.memory_space<hbm>>) dst(%arg9 : memref<128x128xf32, #tpu.memory_space<vmem>>)
      tpu.yield
    }) : () -> ()
    %add3A_3 = arith.constant 0 : i32
    %add3A_4 = arith.addi %mul3A_2, %add3A_3 : i32
    "tpu.region"() ({
      %run_scoped3A = tpu.sem_alloc : memref<!tpu.dma_semaphore, #tpu.memory_space<semaphore_mem>>
      %dma_start3A = arith.constant 0 : i32
      %dma_start3A_41 = tpu.memref_slice %arg10[%add3A_4, %dma_start3A] : memref<10240x128xf32, #tpu.memory_space<vmem_shared>> -> memref<128x128xf32, #tpu.memory_space<vmem_shared>>
      %dma_start3A_42 = arith.constant 0 : i32
      %dma_start3A_43 = tpu.memref_slice %arg10[%add3A_4, %dma_start3A_42] : memref<10240x128xf32, #tpu.memory_space<vmem_shared>> -> memref<128x128xf32, #tpu.memory_space<vmem_shared>>
      tpu.enqueue_dma source(%arg9 : memref<128x128xf32, #tpu.memory_space<vmem>>) target(%dma_start3A_43 : memref<128x128xf32, #tpu.memory_space<vmem_shared>>) target_semaphore(%run_scoped3A : memref<!tpu.dma_semaphore, #tpu.memory_space<semaphore_mem>>)
      %dma_wait3A = arith.constant 0 : i32
      %dma_wait3A_44 = tpu.memref_slice %arg10[%add3A_4, %dma_wait3A] : memref<10240x128xf32, #tpu.memory_space<vmem_shared>> -> memref<128x128xf32, #tpu.memory_space<vmem_shared>>
      %dma_wait3A_45 = arith.constant 0 : i32
      %dma_wait3A_46 = tpu.memref_slice %arg10[%add3A_4, %dma_wait3A_45] : memref<10240x128xf32, #tpu.memory_space<vmem_shared>> -> memref<128x128xf32, #tpu.memory_space<vmem_shared>>
      tpu.wait_dma2 semaphore(%run_scoped3A : memref<!tpu.dma_semaphore, #tpu.memory_space<semaphore_mem>>) src(%arg9 : memref<128x128xf32, #tpu.memory_space<vmem>>) dst(%dma_wait3A_46 : memref<128x128xf32, #tpu.memory_space<vmem_shared>>)
      tpu.yield
    }) : () -> ()
    %add3A_5 = arith.constant 128 : i32
    %add3A_6 = arith.addi %mul3A_2, %add3A_5 : i32
    "tpu.region"() ({
      %run_scoped3A = tpu.sem_alloc : memref<!tpu.dma_semaphore, #tpu.memory_space<semaphore_mem>>
      %dma_start3A = arith.constant 0 : i32
      %dma_start3A_41 = tpu.memref_slice %arg10[%add3A_6, %dma_start3A] : memref<10240x128xf32, #tpu.memory_space<vmem_shared>> -> memref<128x128xf32, #tpu.memory_space<vmem_shared>>
      %dma_start3A_42 = arith.constant 0 : i32
      %dma_start3A_43 = tpu.memref_slice %arg10[%add3A_6, %dma_start3A_42] : memref<10240x128xf32, #tpu.memory_space<vmem_shared>> -> memref<128x128xf32, #tpu.memory_space<vmem_shared>>
      tpu.enqueue_dma source(%arg9 : memref<128x128xf32, #tpu.memory_space<vmem>>) target(%dma_start3A_43 : memref<128x128xf32, #tpu.memory_space<vmem_shared>>) target_semaphore(%run_scoped3A : memref<!tpu.dma_semaphore, #tpu.memory_space<semaphore_mem>>)
      %dma_wait3A = arith.constant 0 : i32
      %dma_wait3A_44 = tpu.memref_slice %arg10[%add3A_6, %dma_wait3A] : memref<10240x128xf32, #tpu.memory_space<vmem_shared>> -> memref<128x128xf32, #tpu.memory_space<vmem_shared>>
      %dma_wait3A_45 = arith.constant 0 : i32
      %dma_wait3A_46 = tpu.memref_slice %arg10[%add3A_6, %dma_wait3A_45] : memref<10240x128xf32, #tpu.memory_space<vmem_shared>> -> memref<128x128xf32, #tpu.memory_space<vmem_shared>>
      tpu.wait_dma2 semaphore(%run_scoped3A : memref<!tpu.dma_semaphore, #tpu.memory_space<semaphore_mem>>) src(%arg9 : memref<128x128xf32, #tpu.memory_space<vmem>>) dst(%dma_wait3A_46 : memref<128x128xf32, #tpu.memory_space<vmem_shared>>)
      tpu.yield
    }) : () -> ()
    %add3A_7 = arith.constant 256 : i32
    %add3A_8 = arith.addi %mul3A_2, %add3A_7 : i32
    "tpu.region"() ({
      %run_scoped3A = tpu.sem_alloc : memref<!tpu.dma_semaphore, #tpu.memory_space<semaphore_mem>>
      %dma_start3A = arith.constant 0 : i32
      %dma_start3A_41 = tpu.memref_slice %arg10[%add3A_8, %dma_start3A] : memref<10240x128xf32, #tpu.memory_space<vmem_shared>> -> memref<128x128xf32, #tpu.memory_space<vmem_shared>>
      %dma_start3A_42 = arith.constant 0 : i32
      %dma_start3A_43 = tpu.memref_slice %arg10[%add3A_8, %dma_start3A_42] : memref<10240x128xf32, #tpu.memory_space<vmem_shared>> -> memref<128x128xf32, #tpu.memory_space<vmem_shared>>
      tpu.enqueue_dma source(%arg9 : memref<128x128xf32, #tpu.memory_space<vmem>>) target(%dma_start3A_43 : memref<128x128xf32, #tpu.memory_space<vmem_shared>>) target_semaphore(%run_scoped3A : memref<!tpu.dma_semaphore, #tpu.memory_space<semaphore_mem>>)
      %dma_wait3A = arith.constant 0 : i32
      %dma_wait3A_44 = tpu.memref_slice %arg10[%add3A_8, %dma_wait3A] : memref<10240x128xf32, #tpu.memory_space<vmem_shared>> -> memref<128x128xf32, #tpu.memory_space<vmem_shared>>
      %dma_wait3A_45 = arith.constant 0 : i32
      %dma_wait3A_46 = tpu.memref_slice %arg10[%add3A_8, %dma_wait3A_45] : memref<10240x128xf32, #tpu.memory_space<vmem_shared>> -> memref<128x128xf32, #tpu.memory_space<vmem_shared>>
      tpu.wait_dma2 semaphore(%run_scoped3A : memref<!tpu.dma_semaphore, #tpu.memory_space<semaphore_mem>>) src(%arg9 : memref<128x128xf32, #tpu.memory_space<vmem>>) dst(%dma_wait3A_46 : memref<128x128xf32, #tpu.memory_space<vmem_shared>>)
      tpu.yield
    }) : () -> ()
    %add3A_9 = arith.constant 384 : i32
    %add3A_10 = arith.addi %mul3A_2, %add3A_9 : i32
    "tpu.region"() ({
      %run_scoped3A = tpu.sem_alloc : memref<!tpu.dma_semaphore, #tpu.memory_space<semaphore_mem>>
      %dma_start3A = arith.constant 0 : i32
      %dma_start3A_41 = tpu.memref_slice %arg10[%add3A_10, %dma_start3A] : memref<10240x128xf32, #tpu.memory_space<vmem_shared>> -> memref<128x128xf32, #tpu.memory_space<vmem_shared>>
      %dma_start3A_42 = arith.constant 0 : i32
      %dma_start3A_43 = tpu.memref_slice %arg10[%add3A_10, %dma_start3A_42] : memref<10240x128xf32, #tpu.memory_space<vmem_shared>> -> memref<128x128xf32, #tpu.memory_space<vmem_shared>>
      tpu.enqueue_dma source(%arg9 : memref<128x128xf32, #tpu.memory_space<vmem>>) target(%dma_start3A_43 : memref<128x128xf32, #tpu.memory_space<vmem_shared>>) target_semaphore(%run_scoped3A : memref<!tpu.dma_semaphore, #tpu.memory_space<semaphore_mem>>)
      %dma_wait3A = arith.constant 0 : i32
      %dma_wait3A_44 = tpu.memref_slice %arg10[%add3A_10, %dma_wait3A] : memref<10240x128xf32, #tpu.memory_space<vmem_shared>> -> memref<128x128xf32, #tpu.memory_space<vmem_shared>>
      %dma_wait3A_45 = arith.constant 0 : i32
      %dma_wait3A_46 = tpu.memref_slice %arg10[%add3A_10, %dma_wait3A_45] : memref<10240x128xf32, #tpu.memory_space<vmem_shared>> -> memref<128x128xf32, #tpu.memory_space<vmem_shared>>
      tpu.wait_dma2 semaphore(%run_scoped3A : memref<!tpu.dma_semaphore, #tpu.memory_space<semaphore_mem>>) src(%arg9 : memref<128x128xf32, #tpu.memory_space<vmem>>) dst(%dma_wait3A_46 : memref<128x128xf32, #tpu.memory_space<vmem_shared>>)
      tpu.yield
    }) : () -> ()
    %add3A_11 = arith.constant 512 : i32
    %add3A_12 = arith.addi %mul3A_2, %add3A_11 : i32
    "tpu.region"() ({
      %run_scoped3A = tpu.sem_alloc : memref<!tpu.dma_semaphore, #tpu.memory_space<semaphore_mem>>
      %dma_start3A = arith.constant 0 : i32
      %dma_start3A_41 = tpu.memref_slice %arg10[%add3A_12, %dma_start3A] : memref<10240x128xf32, #tpu.memory_space<vmem_shared>> -> memref<128x128xf32, #tpu.memory_space<vmem_shared>>
      %dma_start3A_42 = arith.constant 0 : i32
      %dma_start3A_43 = tpu.memref_slice %arg10[%add3A_12, %dma_start3A_42] : memref<10240x128xf32, #tpu.memory_space<vmem_shared>> -> memref<128x128xf32, #tpu.memory_space<vmem_shared>>
      tpu.enqueue_dma source(%arg9 : memref<128x128xf32, #tpu.memory_space<vmem>>) target(%dma_start3A_43 : memref<128x128xf32, #tpu.memory_space<vmem_shared>>) target_semaphore(%run_scoped3A : memref<!tpu.dma_semaphore, #tpu.memory_space<semaphore_mem>>)
      %dma_wait3A = arith.constant 0 : i32
      %dma_wait3A_44 = tpu.memref_slice %arg10[%add3A_12, %dma_wait3A] : memref<10240x128xf32, #tpu.memory_space<vmem_shared>> -> memref<128x128xf32, #tpu.memory_space<vmem_shared>>
      %dma_wait3A_45 = arith.constant 0 : i32
      %dma_wait3A_46 = tpu.memref_slice %arg10[%add3A_12, %dma_wait3A_45] : memref<10240x128xf32, #tpu.memory_space<vmem_shared>> -> memref<128x128xf32, #tpu.memory_space<vmem_shared>>
      tpu.wait_dma2 semaphore(%run_scoped3A : memref<!tpu.dma_semaphore, #tpu.memory_space<semaphore_mem>>) src(%arg9 : memref<128x128xf32, #tpu.memory_space<vmem>>) dst(%dma_wait3A_46 : memref<128x128xf32, #tpu.memory_space<vmem_shared>>)
      tpu.yield
    }) : () -> ()
    %barrier3A = arith.constant 0 : index
    tpu.barrier barrier_id(%barrier3A)
    %mul3A_13 = arith.constant 10112 : i32
    %mul3A_14 = arith.muli %add3A, %mul3A_13 : i32
    %scan3A = arith.constant 0 : i32
    %scan3A_15 = arith.constant 0 : i32
    %scan3A_16 = arith.constant 79 : i32
    %scan3A_17 = arith.addi %scan3A_15, %scan3A_16 : i32
    %scan3A_18 = arith.constant 1 : i32
    scf.for %scan3A_41 = %scan3A_15 to %scan3A_17 step %scan3A_18  : i32 {
      %mul3A_42 = arith.constant 128 : i32
      %mul3A_43 = arith.muli %scan3A_41, %mul3A_42 : i32
      %add3A_44 = arith.addi %mul3A_14, %mul3A_43 : i32
      "tpu.region"() ({
        %run_scoped3A = tpu.sem_alloc : memref<!tpu.dma_semaphore, #tpu.memory_space<semaphore_mem>>
        %dma_start3A_49 = tpu.memref_slice %arg3[%add3A_44] : memref<323584xi32, #tpu.memory_space<hbm>> -> memref<128xi32, #tpu.memory_space<hbm>>
        %dma_start3A_50 = tpu.memref_slice %arg3[%add3A_44] : memref<323584xi32, #tpu.memory_space<hbm>> -> memref<128xi32, #tpu.memory_space<hbm>>
        tpu.enqueue_dma source(%dma_start3A_50 : memref<128xi32, #tpu.memory_space<hbm>>) target(%arg7 : memref<128xi32, #tpu.memory_space<vmem>>) target_semaphore(%run_scoped3A : memref<!tpu.dma_semaphore, #tpu.memory_space<semaphore_mem>>)
        %dma_wait3A_51 = tpu.memref_slice %arg3[%add3A_44] : memref<323584xi32, #tpu.memory_space<hbm>> -> memref<128xi32, #tpu.memory_space<hbm>>
        %dma_wait3A_52 = tpu.memref_slice %arg3[%add3A_44] : memref<323584xi32, #tpu.memory_space<hbm>> -> memref<128xi32, #tpu.memory_space<hbm>>
        tpu.wait_dma2 semaphore(%run_scoped3A : memref<!tpu.dma_semaphore, #tpu.memory_space<semaphore_mem>>) src(%dma_wait3A_52 : memref<128xi32, #tpu.memory_space<hbm>>) dst(%arg7 : memref<128xi32, #tpu.memory_space<vmem>>)
        tpu.yield
      }) : () -> ()
      %dma_start3A = arith.constant 0 : i32
      %dma_start3A_45 = arith.constant 0 : i32
      %dma_start3A_46 = tpu.memref_slice %arg2[%dma_start3A, %dma_start3A_45] : memref<10240x128xf32, #tpu.memory_space<hbm>> -> memref<10240x128xf32, #tpu.memory_space<hbm>>
      tpu.enqueue_indirect_dma source(%dma_start3A_46 : memref<10240x128xf32, #tpu.memory_space<hbm>>) target(%arg9 : memref<128x128xf32, #tpu.memory_space<vmem>>) offsets(%arg7 : memref<128xi32, #tpu.memory_space<vmem>>) semaphore(%arg11 : memref<!tpu.dma_semaphore, #tpu.memory_space<semaphore_mem>>)
      %dma_wait3A = arith.constant 0 : i32
      %dma_wait3A_47 = arith.constant 0 : i32
      %dma_wait3A_48 = tpu.memref_slice %arg2[%dma_wait3A, %dma_wait3A_47] : memref<10240x128xf32, #tpu.memory_space<hbm>> -> memref<10240x128xf32, #tpu.memory_space<hbm>>
      tpu.wait_indirect_dma semaphore(%arg11 : memref<!tpu.dma_semaphore, #tpu.memory_space<semaphore_mem>>) src(%dma_wait3A_48 : memref<10240x128xf32, #tpu.memory_space<hbm>>) dst(%arg9 : memref<128x128xf32, #tpu.memory_space<vmem>>)
      "tpu.region"() ({
        %run_scoped3A = tpu.sem_alloc : memref<!tpu.dma_semaphore, #tpu.memory_space<semaphore_mem>>
        %dma_start3A_49 = tpu.memref_slice %arg4[%add3A_44] : memref<323584xi32, #tpu.memory_space<hbm>> -> memref<128xi32, #tpu.memory_space<hbm>>
        %dma_start3A_50 = tpu.memref_slice %arg4[%add3A_44] : memref<323584xi32, #tpu.memory_space<hbm>> -> memref<128xi32, #tpu.memory_space<hbm>>
        tpu.enqueue_dma source(%dma_start3A_50 : memref<128xi32, #tpu.memory_space<hbm>>) target(%arg8 : memref<128xi32, #tpu.memory_space<vmem>>) target_semaphore(%run_scoped3A : memref<!tpu.dma_semaphore, #tpu.memory_space<semaphore_mem>>)
        %dma_wait3A_51 = tpu.memref_slice %arg4[%add3A_44] : memref<323584xi32, #tpu.memory_space<hbm>> -> memref<128xi32, #tpu.memory_space<hbm>>
        %dma_wait3A_52 = tpu.memref_slice %arg4[%add3A_44] : memref<323584xi32, #tpu.memory_space<hbm>> -> memref<128xi32, #tpu.memory_space<hbm>>
        tpu.wait_dma2 semaphore(%run_scoped3A : memref<!tpu.dma_semaphore, #tpu.memory_space<semaphore_mem>>) src(%dma_wait3A_52 : memref<128xi32, #tpu.memory_space<hbm>>) dst(%arg8 : memref<128xi32, #tpu.memory_space<vmem>>)
        tpu.yield
      }) : () -> ()
      "tpu.region"() ({
        %run_scoped3A = tpu.sem_alloc : memref<!tpu.dma_semaphore, #tpu.memory_space<semaphore_mem>>
        %dma_start3A_49 = arith.constant 0 : i32
        %dma_start3A_50 = arith.constant 0 : i32
        %dma_start3A_51 = tpu.memref_slice %arg10[%dma_start3A_49, %dma_start3A_50] : memref<10240x128xf32, #tpu.memory_space<vmem_shared>> -> memref<10240x128xf32, #tpu.memory_space<vmem_shared>>
        tpu.enqueue_indirect_dma source(%arg9 : memref<128x128xf32, #tpu.memory_space<vmem>>) target(%dma_start3A_51 : memref<10240x128xf32, #tpu.memory_space<vmem_shared>>) offsets(%arg8 : memref<128xi32, #tpu.memory_space<vmem>>) semaphore(%run_scoped3A : memref<!tpu.dma_semaphore, #tpu.memory_space<semaphore_mem>>) {add = true}
        %dma_wait3A_52 = arith.constant 0 : i32
        %dma_wait3A_53 = arith.constant 0 : i32
        %dma_wait3A_54 = tpu.memref_slice %arg10[%dma_wait3A_52, %dma_wait3A_53] : memref<10240x128xf32, #tpu.memory_space<vmem_shared>> -> memref<10240x128xf32, #tpu.memory_space<vmem_shared>>
        tpu.wait_indirect_dma semaphore(%run_scoped3A : memref<!tpu.dma_semaphore, #tpu.memory_space<semaphore_mem>>) src(%arg9 : memref<128x128xf32, #tpu.memory_space<vmem>>) dst(%dma_wait3A_54 : memref<10240x128xf32, #tpu.memory_space<vmem_shared>>)
        tpu.yield
      }) : () -> ()
    }
    %scan3A_19 = arith.constant 79 : i32
    %barrier3A_20 = arith.constant 0 : index
    tpu.barrier barrier_id(%barrier3A_20)
    %add3A_21 = arith.constant 0 : i32
    %add3A_22 = arith.addi %mul3A_2, %add3A_21 : i32
    "tpu.region"() ({
      %run_scoped3A = tpu.sem_alloc : memref<!tpu.dma_semaphore, #tpu.memory_space<semaphore_mem>>
      %dma_start3A = arith.constant 0 : i32
      %dma_start3A_41 = tpu.memref_slice %arg10[%add3A_22, %dma_start3A] : memref<10240x128xf32, #tpu.memory_space<vmem_shared>> -> memref<128x128xf32, #tpu.memory_space<vmem_shared>>
      %dma_start3A_42 = arith.constant 0 : i32
      %dma_start3A_43 = tpu.memref_slice %arg10[%add3A_22, %dma_start3A_42] : memref<10240x128xf32, #tpu.memory_space<vmem_shared>> -> memref<128x128xf32, #tpu.memory_space<vmem_shared>>
      tpu.enqueue_dma source(%dma_start3A_43 : memref<128x128xf32, #tpu.memory_space<vmem_shared>>) target(%arg9 : memref<128x128xf32, #tpu.memory_space<vmem>>) target_semaphore(%run_scoped3A : memref<!tpu.dma_semaphore, #tpu.memory_space<semaphore_mem>>)
      %dma_wait3A = arith.constant 0 : i32
      %dma_wait3A_44 = tpu.memref_slice %arg10[%add3A_22, %dma_wait3A] : memref<10240x128xf32, #tpu.memory_space<vmem_shared>> -> memref<128x128xf32, #tpu.memory_space<vmem_shared>>
      %dma_wait3A_45 = arith.constant 0 : i32
      %dma_wait3A_46 = tpu.memref_slice %arg10[%add3A_22, %dma_wait3A_45] : memref<10240x128xf32, #tpu.memory_space<vmem_shared>> -> memref<128x128xf32, #tpu.memory_space<vmem_shared>>
      tpu.wait_dma2 semaphore(%run_scoped3A : memref<!tpu.dma_semaphore, #tpu.memory_space<semaphore_mem>>) src(%dma_wait3A_46 : memref<128x128xf32, #tpu.memory_space<vmem_shared>>) dst(%arg9 : memref<128x128xf32, #tpu.memory_space<vmem>>)
      tpu.yield
    }) : () -> ()
    %add3A_23 = arith.constant 0 : i32
    %add3A_24 = arith.addi %mul3A_2, %add3A_23 : i32
    "tpu.region"() ({
      %run_scoped3A = tpu.sem_alloc : memref<!tpu.dma_semaphore, #tpu.memory_space<semaphore_mem>>
      %dma_start3A = arith.constant 0 : i32
      %dma_start3A_41 = tpu.memref_slice %arg6[%arg0, %add3A_24, %dma_start3A] : memref<2x10240x128xf32, #tpu.memory_space<hbm>> -> memref<1x128x128xf32, #tpu.memory_space<hbm>>
      %dma_start3A_42 = tpu.memref_squeeze %dma_start3A_41 : memref<1x128x128xf32, #tpu.memory_space<hbm>> -> memref<128x128xf32, #tpu.memory_space<hbm>>
      %dma_start3A_43 = arith.constant 0 : i32
      %dma_start3A_44 = tpu.memref_slice %arg6[%arg0, %add3A_24, %dma_start3A_43] : memref<2x10240x128xf32, #tpu.memory_space<hbm>> -> memref<1x128x128xf32, #tpu.memory_space<hbm>>
      %dma_start3A_45 = tpu.memref_squeeze %dma_start3A_44 : memref<1x128x128xf32, #tpu.memory_space<hbm>> -> memref<128x128xf32, #tpu.memory_space<hbm>>
      tpu.enqueue_dma source(%arg9 : memref<128x128xf32, #tpu.memory_space<vmem>>) target(%dma_start3A_45 : memref<128x128xf32, #tpu.memory_space<hbm>>) target_semaphore(%run_scoped3A : memref<!tpu.dma_semaphore, #tpu.memory_space<semaphore_mem>>)
      %dma_wait3A = arith.constant 0 : i32
      %dma_wait3A_46 = tpu.memref_slice %arg6[%arg0, %add3A_24, %dma_wait3A] : memref<2x10240x128xf32, #tpu.memory_space<hbm>> -> memref<1x128x128xf32, #tpu.memory_space<hbm>>
      %dma_wait3A_47 = tpu.memref_squeeze %dma_wait3A_46 : memref<1x128x128xf32, #tpu.memory_space<hbm>> -> memref<128x128xf32, #tpu.memory_space<hbm>>
      %dma_wait3A_48 = arith.constant 0 : i32
      %dma_wait3A_49 = tpu.memref_slice %arg6[%arg0, %add3A_24, %dma_wait3A_48] : memref<2x10240x128xf32, #tpu.memory_space<hbm>> -> memref<1x128x128xf32, #tpu.memory_space<hbm>>
      %dma_wait3A_50 = tpu.memref_squeeze %dma_wait3A_49 : memref<1x128x128xf32, #tpu.memory_space<hbm>> -> memref<128x128xf32, #tpu.memory_space<hbm>>
      tpu.wait_dma2 semaphore(%run_scoped3A : memref<!tpu.dma_semaphore, #tpu.memory_space<semaphore_mem>>) src(%arg9 : memref<128x128xf32, #tpu.memory_space<vmem>>) dst(%dma_wait3A_50 : memref<128x128xf32, #tpu.memory_space<hbm>>)
      tpu.yield
    }) : () -> ()
    %add3A_25 = arith.constant 128 : i32
    %add3A_26 = arith.addi %mul3A_2, %add3A_25 : i32
    "tpu.region"() ({
      %run_scoped3A = tpu.sem_alloc : memref<!tpu.dma_semaphore, #tpu.memory_space<semaphore_mem>>
      %dma_start3A = arith.constant 0 : i32
      %dma_start3A_41 = tpu.memref_slice %arg10[%add3A_26, %dma_start3A] : memref<10240x128xf32, #tpu.memory_space<vmem_shared>> -> memref<128x128xf32, #tpu.memory_space<vmem_shared>>
      %dma_start3A_42 = arith.constant 0 : i32
      %dma_start3A_43 = tpu.memref_slice %arg10[%add3A_26, %dma_start3A_42] : memref<10240x128xf32, #tpu.memory_space<vmem_shared>> -> memref<128x128xf32, #tpu.memory_space<vmem_shared>>
      tpu.enqueue_dma source(%dma_start3A_43 : memref<128x128xf32, #tpu.memory_space<vmem_shared>>) target(%arg9 : memref<128x128xf32, #tpu.memory_space<vmem>>) target_semaphore(%run_scoped3A : memref<!tpu.dma_semaphore, #tpu.memory_space<semaphore_mem>>)
      %dma_wait3A = arith.constant 0 : i32
      %dma_wait3A_44 = tpu.memref_slice %arg10[%add3A_26, %dma_wait3A] : memref<10240x128xf32, #tpu.memory_space<vmem_shared>> -> memref<128x128xf32, #tpu.memory_space<vmem_shared>>
      %dma_wait3A_45 = arith.constant 0 : i32
      %dma_wait3A_46 = tpu.memref_slice %arg10[%add3A_26, %dma_wait3A_45] : memref<10240x128xf32, #tpu.memory_space<vmem_shared>> -> memref<128x128xf32, #tpu.memory_space<vmem_shared>>
      tpu.wait_dma2 semaphore(%run_scoped3A : memref<!tpu.dma_semaphore, #tpu.memory_space<semaphore_mem>>) src(%dma_wait3A_46 : memref<128x128xf32, #tpu.memory_space<vmem_shared>>) dst(%arg9 : memref<128x128xf32, #tpu.memory_space<vmem>>)
      tpu.yield
    }) : () -> ()
    %add3A_27 = arith.constant 128 : i32
    %add3A_28 = arith.addi %mul3A_2, %add3A_27 : i32
    "tpu.region"() ({
      %run_scoped3A = tpu.sem_alloc : memref<!tpu.dma_semaphore, #tpu.memory_space<semaphore_mem>>
      %dma_start3A = arith.constant 0 : i32
      %dma_start3A_41 = tpu.memref_slice %arg6[%arg0, %add3A_28, %dma_start3A] : memref<2x10240x128xf32, #tpu.memory_space<hbm>> -> memref<1x128x128xf32, #tpu.memory_space<hbm>>
      %dma_start3A_42 = tpu.memref_squeeze %dma_start3A_41 : memref<1x128x128xf32, #tpu.memory_space<hbm>> -> memref<128x128xf32, #tpu.memory_space<hbm>>
      %dma_start3A_43 = arith.constant 0 : i32
      %dma_start3A_44 = tpu.memref_slice %arg6[%arg0, %add3A_28, %dma_start3A_43] : memref<2x10240x128xf32, #tpu.memory_space<hbm>> -> memref<1x128x128xf32, #tpu.memory_space<hbm>>
      %dma_start3A_45 = tpu.memref_squeeze %dma_start3A_44 : memref<1x128x128xf32, #tpu.memory_space<hbm>> -> memref<128x128xf32, #tpu.memory_space<hbm>>
      tpu.enqueue_dma source(%arg9 : memref<128x128xf32, #tpu.memory_space<vmem>>) target(%dma_start3A_45 : memref<128x128xf32, #tpu.memory_space<hbm>>) target_semaphore(%run_scoped3A : memref<!tpu.dma_semaphore, #tpu.memory_space<semaphore_mem>>)
      %dma_wait3A = arith.constant 0 : i32
      %dma_wait3A_46 = tpu.memref_slice %arg6[%arg0, %add3A_28, %dma_wait3A] : memref<2x10240x128xf32, #tpu.memory_space<hbm>> -> memref<1x128x128xf32, #tpu.memory_space<hbm>>
      %dma_wait3A_47 = tpu.memref_squeeze %dma_wait3A_46 : memref<1x128x128xf32, #tpu.memory_space<hbm>> -> memref<128x128xf32, #tpu.memory_space<hbm>>
      %dma_wait3A_48 = arith.constant 0 : i32
      %dma_wait3A_49 = tpu.memref_slice %arg6[%arg0, %add3A_28, %dma_wait3A_48] : memref<2x10240x128xf32, #tpu.memory_space<hbm>> -> memref<1x128x128xf32, #tpu.memory_space<hbm>>
      %dma_wait3A_50 = tpu.memref_squeeze %dma_wait3A_49 : memref<1x128x128xf32, #tpu.memory_space<hbm>> -> memref<128x128xf32, #tpu.memory_space<hbm>>
      tpu.wait_dma2 semaphore(%run_scoped3A : memref<!tpu.dma_semaphore, #tpu.memory_space<semaphore_mem>>) src(%arg9 : memref<128x128xf32, #tpu.memory_space<vmem>>) dst(%dma_wait3A_50 : memref<128x128xf32, #tpu.memory_space<hbm>>)
      tpu.yield
    }) : () -> ()
    %add3A_29 = arith.constant 256 : i32
    %add3A_30 = arith.addi %mul3A_2, %add3A_29 : i32
    "tpu.region"() ({
      %run_scoped3A = tpu.sem_alloc : memref<!tpu.dma_semaphore, #tpu.memory_space<semaphore_mem>>
      %dma_start3A = arith.constant 0 : i32
      %dma_start3A_41 = tpu.memref_slice %arg10[%add3A_30, %dma_start3A] : memref<10240x128xf32, #tpu.memory_space<vmem_shared>> -> memref<128x128xf32, #tpu.memory_space<vmem_shared>>
      %dma_start3A_42 = arith.constant 0 : i32
      %dma_start3A_43 = tpu.memref_slice %arg10[%add3A_30, %dma_start3A_42] : memref<10240x128xf32, #tpu.memory_space<vmem_shared>> -> memref<128x128xf32, #tpu.memory_space<vmem_shared>>
      tpu.enqueue_dma source(%dma_start3A_43 : memref<128x128xf32, #tpu.memory_space<vmem_shared>>) target(%arg9 : memref<128x128xf32, #tpu.memory_space<vmem>>) target_semaphore(%run_scoped3A : memref<!tpu.dma_semaphore, #tpu.memory_space<semaphore_mem>>)
      %dma_wait3A = arith.constant 0 : i32
      %dma_wait3A_44 = tpu.memref_slice %arg10[%add3A_30, %dma_wait3A] : memref<10240x128xf32, #tpu.memory_space<vmem_shared>> -> memref<128x128xf32, #tpu.memory_space<vmem_shared>>
      %dma_wait3A_45 = arith.constant 0 : i32
      %dma_wait3A_46 = tpu.memref_slice %arg10[%add3A_30, %dma_wait3A_45] : memref<10240x128xf32, #tpu.memory_space<vmem_shared>> -> memref<128x128xf32, #tpu.memory_space<vmem_shared>>
      tpu.wait_dma2 semaphore(%run_scoped3A : memref<!tpu.dma_semaphore, #tpu.memory_space<semaphore_mem>>) src(%dma_wait3A_46 : memref<128x128xf32, #tpu.memory_space<vmem_shared>>) dst(%arg9 : memref<128x128xf32, #tpu.memory_space<vmem>>)
      tpu.yield
    }) : () -> ()
    %add3A_31 = arith.constant 256 : i32
    %add3A_32 = arith.addi %mul3A_2, %add3A_31 : i32
    "tpu.region"() ({
      %run_scoped3A = tpu.sem_alloc : memref<!tpu.dma_semaphore, #tpu.memory_space<semaphore_mem>>
      %dma_start3A = arith.constant 0 : i32
      %dma_start3A_41 = tpu.memref_slice %arg6[%arg0, %add3A_32, %dma_start3A] : memref<2x10240x128xf32, #tpu.memory_space<hbm>> -> memref<1x128x128xf32, #tpu.memory_space<hbm>>
      %dma_start3A_42 = tpu.memref_squeeze %dma_start3A_41 : memref<1x128x128xf32, #tpu.memory_space<hbm>> -> memref<128x128xf32, #tpu.memory_space<hbm>>
      %dma_start3A_43 = arith.constant 0 : i32
      %dma_start3A_44 = tpu.memref_slice %arg6[%arg0, %add3A_32, %dma_start3A_43] : memref<2x10240x128xf32, #tpu.memory_space<hbm>> -> memref<1x128x128xf32, #tpu.memory_space<hbm>>
      %dma_start3A_45 = tpu.memref_squeeze %dma_start3A_44 : memref<1x128x128xf32, #tpu.memory_space<hbm>> -> memref<128x128xf32, #tpu.memory_space<hbm>>
      tpu.enqueue_dma source(%arg9 : memref<128x128xf32, #tpu.memory_space<vmem>>) target(%dma_start3A_45 : memref<128x128xf32, #tpu.memory_space<hbm>>) target_semaphore(%run_scoped3A : memref<!tpu.dma_semaphore, #tpu.memory_space<semaphore_mem>>)
      %dma_wait3A = arith.constant 0 : i32
      %dma_wait3A_46 = tpu.memref_slice %arg6[%arg0, %add3A_32, %dma_wait3A] : memref<2x10240x128xf32, #tpu.memory_space<hbm>> -> memref<1x128x128xf32, #tpu.memory_space<hbm>>
      %dma_wait3A_47 = tpu.memref_squeeze %dma_wait3A_46 : memref<1x128x128xf32, #tpu.memory_space<hbm>> -> memref<128x128xf32, #tpu.memory_space<hbm>>
      %dma_wait3A_48 = arith.constant 0 : i32
      %dma_wait3A_49 = tpu.memref_slice %arg6[%arg0, %add3A_32, %dma_wait3A_48] : memref<2x10240x128xf32, #tpu.memory_space<hbm>> -> memref<1x128x128xf32, #tpu.memory_space<hbm>>
      %dma_wait3A_50 = tpu.memref_squeeze %dma_wait3A_49 : memref<1x128x128xf32, #tpu.memory_space<hbm>> -> memref<128x128xf32, #tpu.memory_space<hbm>>
      tpu.wait_dma2 semaphore(%run_scoped3A : memref<!tpu.dma_semaphore, #tpu.memory_space<semaphore_mem>>) src(%arg9 : memref<128x128xf32, #tpu.memory_space<vmem>>) dst(%dma_wait3A_50 : memref<128x128xf32, #tpu.memory_space<hbm>>)
      tpu.yield
    }) : () -> ()
    %add3A_33 = arith.constant 384 : i32
    %add3A_34 = arith.addi %mul3A_2, %add3A_33 : i32
    "tpu.region"() ({
      %run_scoped3A = tpu.sem_alloc : memref<!tpu.dma_semaphore, #tpu.memory_space<semaphore_mem>>
      %dma_start3A = arith.constant 0 : i32
      %dma_start3A_41 = tpu.memref_slice %arg10[%add3A_34, %dma_start3A] : memref<10240x128xf32, #tpu.memory_space<vmem_shared>> -> memref<128x128xf32, #tpu.memory_space<vmem_shared>>
      %dma_start3A_42 = arith.constant 0 : i32
      %dma_start3A_43 = tpu.memref_slice %arg10[%add3A_34, %dma_start3A_42] : memref<10240x128xf32, #tpu.memory_space<vmem_shared>> -> memref<128x128xf32, #tpu.memory_space<vmem_shared>>
      tpu.enqueue_dma source(%dma_start3A_43 : memref<128x128xf32, #tpu.memory_space<vmem_shared>>) target(%arg9 : memref<128x128xf32, #tpu.memory_space<vmem>>) target_semaphore(%run_scoped3A : memref<!tpu.dma_semaphore, #tpu.memory_space<semaphore_mem>>)
      %dma_wait3A = arith.constant 0 : i32
      %dma_wait3A_44 = tpu.memref_slice %arg10[%add3A_34, %dma_wait3A] : memref<10240x128xf32, #tpu.memory_space<vmem_shared>> -> memref<128x128xf32, #tpu.memory_space<vmem_shared>>
      %dma_wait3A_45 = arith.constant 0 : i32
      %dma_wait3A_46 = tpu.memref_slice %arg10[%add3A_34, %dma_wait3A_45] : memref<10240x128xf32, #tpu.memory_space<vmem_shared>> -> memref<128x128xf32, #tpu.memory_space<vmem_shared>>
      tpu.wait_dma2 semaphore(%run_scoped3A : memref<!tpu.dma_semaphore, #tpu.memory_space<semaphore_mem>>) src(%dma_wait3A_46 : memref<128x128xf32, #tpu.memory_space<vmem_shared>>) dst(%arg9 : memref<128x128xf32, #tpu.memory_space<vmem>>)
      tpu.yield
    }) : () -> ()
    %add3A_35 = arith.constant 384 : i32
    %add3A_36 = arith.addi %mul3A_2, %add3A_35 : i32
    "tpu.region"() ({
      %run_scoped3A = tpu.sem_alloc : memref<!tpu.dma_semaphore, #tpu.memory_space<semaphore_mem>>
      %dma_start3A = arith.constant 0 : i32
      %dma_start3A_41 = tpu.memref_slice %arg6[%arg0, %add3A_36, %dma_start3A] : memref<2x10240x128xf32, #tpu.memory_space<hbm>> -> memref<1x128x128xf32, #tpu.memory_space<hbm>>
      %dma_start3A_42 = tpu.memref_squeeze %dma_start3A_41 : memref<1x128x128xf32, #tpu.memory_space<hbm>> -> memref<128x128xf32, #tpu.memory_space<hbm>>
      %dma_start3A_43 = arith.constant 0 : i32
      %dma_start3A_44 = tpu.memref_slice %arg6[%arg0, %add3A_36, %dma_start3A_43] : memref<2x10240x128xf32, #tpu.memory_space<hbm>> -> memref<1x128x128xf32, #tpu.memory_space<hbm>>
      %dma_start3A_45 = tpu.memref_squeeze %dma_start3A_44 : memref<1x128x128xf32, #tpu.memory_space<hbm>> -> memref<128x128xf32, #tpu.memory_space<hbm>>
      tpu.enqueue_dma source(%arg9 : memref<128x128xf32, #tpu.memory_space<vmem>>) target(%dma_start3A_45 : memref<128x128xf32, #tpu.memory_space<hbm>>) target_semaphore(%run_scoped3A : memref<!tpu.dma_semaphore, #tpu.memory_space<semaphore_mem>>)
      %dma_wait3A = arith.constant 0 : i32
      %dma_wait3A_46 = tpu.memref_slice %arg6[%arg0, %add3A_36, %dma_wait3A] : memref<2x10240x128xf32, #tpu.memory_space<hbm>> -> memref<1x128x128xf32, #tpu.memory_space<hbm>>
      %dma_wait3A_47 = tpu.memref_squeeze %dma_wait3A_46 : memref<1x128x128xf32, #tpu.memory_space<hbm>> -> memref<128x128xf32, #tpu.memory_space<hbm>>
      %dma_wait3A_48 = arith.constant 0 : i32
      %dma_wait3A_49 = tpu.memref_slice %arg6[%arg0, %add3A_36, %dma_wait3A_48] : memref<2x10240x128xf32, #tpu.memory_space<hbm>> -> memref<1x128x128xf32, #tpu.memory_space<hbm>>
      %dma_wait3A_50 = tpu.memref_squeeze %dma_wait3A_49 : memref<1x128x128xf32, #tpu.memory_space<hbm>> -> memref<128x128xf32, #tpu.memory_space<hbm>>
      tpu.wait_dma2 semaphore(%run_scoped3A : memref<!tpu.dma_semaphore, #tpu.memory_space<semaphore_mem>>) src(%arg9 : memref<128x128xf32, #tpu.memory_space<vmem>>) dst(%dma_wait3A_50 : memref<128x128xf32, #tpu.memory_space<hbm>>)
      tpu.yield
    }) : () -> ()
    %add3A_37 = arith.constant 512 : i32
    %add3A_38 = arith.addi %mul3A_2, %add3A_37 : i32
    "tpu.region"() ({
      %run_scoped3A = tpu.sem_alloc : memref<!tpu.dma_semaphore, #tpu.memory_space<semaphore_mem>>
      %dma_start3A = arith.constant 0 : i32
      %dma_start3A_41 = tpu.memref_slice %arg10[%add3A_38, %dma_start3A] : memref<10240x128xf32, #tpu.memory_space<vmem_shared>> -> memref<128x128xf32, #tpu.memory_space<vmem_shared>>
      %dma_start3A_42 = arith.constant 0 : i32
      %dma_start3A_43 = tpu.memref_slice %arg10[%add3A_38, %dma_start3A_42] : memref<10240x128xf32, #tpu.memory_space<vmem_shared>> -> memref<128x128xf32, #tpu.memory_space<vmem_shared>>
      tpu.enqueue_dma source(%dma_start3A_43 : memref<128x128xf32, #tpu.memory_space<vmem_shared>>) target(%arg9 : memref<128x128xf32, #tpu.memory_space<vmem>>) target_semaphore(%run_scoped3A : memref<!tpu.dma_semaphore, #tpu.memory_space<semaphore_mem>>)
      %dma_wait3A = arith.constant 0 : i32
      %dma_wait3A_44 = tpu.memref_slice %arg10[%add3A_38, %dma_wait3A] : memref<10240x128xf32, #tpu.memory_space<vmem_shared>> -> memref<128x128xf32, #tpu.memory_space<vmem_shared>>
      %dma_wait3A_45 = arith.constant 0 : i32
      %dma_wait3A_46 = tpu.memref_slice %arg10[%add3A_38, %dma_wait3A_45] : memref<10240x128xf32, #tpu.memory_space<vmem_shared>> -> memref<128x128xf32, #tpu.memory_space<vmem_shared>>
      tpu.wait_dma2 semaphore(%run_scoped3A : memref<!tpu.dma_semaphore, #tpu.memory_space<semaphore_mem>>) src(%dma_wait3A_46 : memref<128x128xf32, #tpu.memory_space<vmem_shared>>) dst(%arg9 : memref<128x128xf32, #tpu.memory_space<vmem>>)
      tpu.yield
    }) : () -> ()
    %add3A_39 = arith.constant 512 : i32
    %add3A_40 = arith.addi %mul3A_2, %add3A_39 : i32
    "tpu.region"() ({
      %run_scoped3A = tpu.sem_alloc : memref<!tpu.dma_semaphore, #tpu.memory_space<semaphore_mem>>
      %dma_start3A = arith.constant 0 : i32
      %dma_start3A_41 = tpu.memref_slice %arg6[%arg0, %add3A_40, %dma_start3A] : memref<2x10240x128xf32, #tpu.memory_space<hbm>> -> memref<1x128x128xf32, #tpu.memory_space<hbm>>
      %dma_start3A_42 = tpu.memref_squeeze %dma_start3A_41 : memref<1x128x128xf32, #tpu.memory_space<hbm>> -> memref<128x128xf32, #tpu.memory_space<hbm>>
      %dma_start3A_43 = arith.constant 0 : i32
      %dma_start3A_44 = tpu.memref_slice %arg6[%arg0, %add3A_40, %dma_start3A_43] : memref<2x10240x128xf32, #tpu.memory_space<hbm>> -> memref<1x128x128xf32, #tpu.memory_space<hbm>>
      %dma_start3A_45 = tpu.memref_squeeze %dma_start3A_44 : memref<1x128x128xf32, #tpu.memory_space<hbm>> -> memref<128x128xf32, #tpu.memory_space<hbm>>
      tpu.enqueue_dma source(%arg9 : memref<128x128xf32, #tpu.memory_space<vmem>>) target(%dma_start3A_45 : memref<128x128xf32, #tpu.memory_space<hbm>>) target_semaphore(%run_scoped3A : memref<!tpu.dma_semaphore, #tpu.memory_space<semaphore_mem>>)
      %dma_wait3A = arith.constant 0 : i32
      %dma_wait3A_46 = tpu.memref_slice %arg6[%arg0, %add3A_40, %dma_wait3A] : memref<2x10240x128xf32, #tpu.memory_space<hbm>> -> memref<1x128x128xf32, #tpu.memory_space<hbm>>
      %dma_wait3A_47 = tpu.memref_squeeze %dma_wait3A_46 : memref<1x128x128xf32, #tpu.memory_space<hbm>> -> memref<128x128xf32, #tpu.memory_space<hbm>>
      %dma_wait3A_48 = arith.constant 0 : i32
      %dma_wait3A_49 = tpu.memref_slice %arg6[%arg0, %add3A_40, %dma_wait3A_48] : memref<2x10240x128xf32, #tpu.memory_space<hbm>> -> memref<1x128x128xf32, #tpu.memory_space<hbm>>
      %dma_wait3A_50 = tpu.memref_squeeze %dma_wait3A_49 : memref<1x128x128xf32, #tpu.memory_space<hbm>> -> memref<128x128xf32, #tpu.memory_space<hbm>>
      tpu.wait_dma2 semaphore(%run_scoped3A : memref<!tpu.dma_semaphore, #tpu.memory_space<semaphore_mem>>) src(%arg9 : memref<128x128xf32, #tpu.memory_space<vmem>>) dst(%dma_wait3A_50 : memref<128x128xf32, #tpu.memory_space<hbm>>)
      tpu.yield
    }) : () -> ()
    return
  }
}

module attributes {stable_mosaic.version = 14 : i64} {
  func.func @_tc_pre_body(%arg0: i32, %arg1: memref<1024x128xf32, #tpu.memory_space<vmem>>, %arg2: memref<128x128xf32, #tpu.memory_space<vmem>>, %arg3: memref<1024x4xf32, #tpu.memory_space<vmem>>, %arg4: memref<1024x128xf32, #tpu.memory_space<vmem>>) attributes {dimension_semantics = [#tpu.dimension_semantics<arbitrary>], iteration_bounds = array<i64: 10>, scalar_prefetch = 0 : i64, scratch_operands = 0 : i64, tpu.core_type = #tpu.core_type<tc>, window_params = [{transform_indices = @transform_0, window_bounds = array<i64: 1024, 128>}, {pipeline_mode = #tpu.pipeline_mode<synchronous>, transform_indices = @transform_1, window_bounds = array<i64: 128, 128>}, {transform_indices = @transform_2, window_bounds = array<i64: 1024, 4>}, {transform_indices = @transform_3, window_bounds = array<i64: 1024, 128>}]} {
    %get3A = arith.constant 0 : index
    %get3A_0 = arith.constant 0 : index
    %get3A_1 = vector.load %arg1[%get3A, %get3A_0] : memref<1024x128xf32, #tpu.memory_space<vmem>>, vector<1024x128xf32>
    %get3A_2 = arith.constant 0 : index
    %get3A_3 = arith.constant 0 : index
    %get3A_4 = vector.load %arg2[%get3A_2, %get3A_3] : memref<128x128xf32, #tpu.memory_space<vmem>>, vector<128x128xf32>
    %dot_general3A = arith.constant dense<0.000000e+00> : vector<1024x128xf32>
    %dot_general3A_5 = tpu.matmul %get3A_1, %get3A_4, %dot_general3A {dimension_numbers = #tpu.dot_dimension_numbers<[1], [0], [0], [1], [0, 0, 1, 1], [], []>, transpose_lhs_hint = false} : vector<1024x128xf32>, vector<128x128xf32>, vector<1024x128xf32> -> vector<1024x128xf32>
    %get3A_6 = arith.constant 0 : index
    %get3A_7 = arith.constant 0 : index
    %get3A_8 = vector.load %arg3[%get3A_6, %get3A_7] : memref<1024x4xf32, #tpu.memory_space<vmem>>, vector<1024x1xf32>
    %get3A_9 = arith.constant 0 : index
    %get3A_10 = arith.constant 2 : index
    %get3A_11 = vector.load %arg3[%get3A_9, %get3A_10] : memref<1024x4xf32, #tpu.memory_space<vmem>>, vector<1024x1xf32>
    %add3A = arith.addf %get3A_8, %get3A_11 : vector<1024x1xf32>
    %add3A_12 = arith.constant 1.000000e+00 : f32
    %add3A_13 = vector.broadcast %add3A_12 : f32 to vector<1024x1xf32>
    %add3A_14 = arith.addf %add3A, %add3A_13 : vector<1024x1xf32>
    %rsqrt3A = math.rsqrt %add3A_14 : vector<1024x1xf32>
    %mul3A = vector.broadcast %rsqrt3A : vector<1024x1xf32> to vector<1024x128xf32>
    %mul3A_15 = arith.mulf %dot_general3A_5, %mul3A : vector<1024x128xf32>
    %swap3A = arith.constant 0 : index
    %swap3A_16 = arith.constant 0 : index
    %swap3A_17 = vector.load %arg4[%swap3A, %swap3A_16] : memref<1024x128xf32, #tpu.memory_space<vmem>>, vector<1024x128xf32>
    tpu.vector_store %arg4[%swap3A, %swap3A_16], %mul3A_15 {strides = array<i32>} : memref<1024x128xf32, #tpu.memory_space<vmem>>, vector<1024x128xf32>,
    return
  }
  func.func @transform_0(%arg0: i32) -> (i32, i32) {
    %c0_i32 = arith.constant 0 : i32
    %c0_i32_0 = arith.constant 0 : i32
    return %arg0, %c0_i32 : i32, i32
  }
  func.func @transform_1(%arg0: i32) -> (i32, i32) {
    %c0_i32 = arith.constant 0 : i32
    %c0_i32_0 = arith.constant 0 : i32
    %c0_i32_1 = arith.constant 0 : i32
    return %c0_i32, %c0_i32_0 : i32, i32
  }
  func.func @transform_2(%arg0: i32) -> (i32, i32) {
    %c0_i32 = arith.constant 0 : i32
    %c0_i32_0 = arith.constant 0 : i32
    return %arg0, %c0_i32 : i32, i32
  }
  func.func @transform_3(%arg0: i32) -> (i32, i32) {
    %c0_i32 = arith.constant 0 : i32
    %c0_i32_0 = arith.constant 0 : i32
    return %arg0, %c0_i32 : i32, i32
  }
}

module attributes {stable_mosaic.version = 14 : i64} {
  func.func @_tc_mid_body(%arg0: i32, %arg1: memref<2x1024x128xf32, #tpu.memory_space<vmem>>, %arg2: memref<1024x128xf32, #tpu.memory_space<vmem>>, %arg3: memref<1024x4xf32, #tpu.memory_space<vmem>>, %arg4: memref<1x128xf32, #tpu.memory_space<vmem>>, %arg5: memref<128x128xf32, #tpu.memory_space<vmem>>, %arg6: memref<1024x128xf32, #tpu.memory_space<vmem>>) attributes {dimension_semantics = [#tpu.dimension_semantics<arbitrary>], iteration_bounds = array<i64: 10>, scalar_prefetch = 0 : i64, scratch_operands = 0 : i64, tpu.core_type = #tpu.core_type<tc>, window_params = [{transform_indices = @transform_0, window_bounds = array<i64: 2, 1024, 128>}, {transform_indices = @transform_1, window_bounds = array<i64: 1024, 128>}, {transform_indices = @transform_2, window_bounds = array<i64: 1024, 4>}, {pipeline_mode = #tpu.pipeline_mode<synchronous>, transform_indices = @transform_3, window_bounds = array<i64: 1, 128>}, {pipeline_mode = #tpu.pipeline_mode<synchronous>, transform_indices = @transform_4, window_bounds = array<i64: 128, 128>}, {transform_indices = @transform_5, window_bounds = array<i64: 1024, 128>}]} {
    %get3A = arith.constant 0 : index
    %get3A_0 = arith.constant 0 : index
    %get3A_1 = arith.constant 0 : index
    %get3A_2 = vector.load %arg1[%get3A, %get3A_0, %get3A_1] : memref<2x1024x128xf32, #tpu.memory_space<vmem>>, vector<1x1024x128xf32>
    %get3A_3 = vector.shape_cast %get3A_2 : vector<1x1024x128xf32> to vector<1024x128xf32>
    %get3A_4 = arith.constant 1 : index
    %get3A_5 = arith.constant 0 : index
    %get3A_6 = arith.constant 0 : index
    %get3A_7 = vector.load %arg1[%get3A_4, %get3A_5, %get3A_6] : memref<2x1024x128xf32, #tpu.memory_space<vmem>>, vector<1x1024x128xf32>
    %get3A_8 = vector.shape_cast %get3A_7 : vector<1x1024x128xf32> to vector<1024x128xf32>
    %add3A = arith.addf %get3A_3, %get3A_8 : vector<1024x128xf32>
    %get3A_9 = arith.constant 0 : index
    %get3A_10 = arith.constant 0 : index
    %get3A_11 = vector.load %arg2[%get3A_9, %get3A_10] : memref<1024x128xf32, #tpu.memory_space<vmem>>, vector<1024x128xf32>
    %add3A_12 = arith.addf %add3A, %get3A_11 : vector<1024x128xf32>
    %get3A_13 = arith.constant 0 : index
    %get3A_14 = arith.constant 1 : index
    %get3A_15 = vector.load %arg3[%get3A_13, %get3A_14] : memref<1024x4xf32, #tpu.memory_space<vmem>>, vector<1024x1xf32>
    %get3A_16 = arith.constant 0 : index
    %get3A_17 = arith.constant 3 : index
    %get3A_18 = vector.load %arg3[%get3A_16, %get3A_17] : memref<1024x4xf32, #tpu.memory_space<vmem>>, vector<1024x1xf32>
    %add3A_19 = arith.addf %get3A_15, %get3A_18 : vector<1024x1xf32>
    %add3A_20 = arith.constant 1.000000e+00 : f32
    %add3A_21 = vector.broadcast %add3A_20 : f32 to vector<1024x1xf32>
    %add3A_22 = arith.addf %add3A_19, %add3A_21 : vector<1024x1xf32>
    %rsqrt3A = math.rsqrt %add3A_22 : vector<1024x1xf32>
    %mul3A = vector.broadcast %rsqrt3A : vector<1024x1xf32> to vector<1024x128xf32>
    %mul3A_23 = arith.mulf %mul3A, %add3A_12 : vector<1024x128xf32>
    %get3A_24 = arith.constant 0 : index
    %get3A_25 = arith.constant 0 : index
    %get3A_26 = vector.load %arg4[%get3A_24, %get3A_25] : memref<1x128xf32, #tpu.memory_space<vmem>>, vector<1x128xf32>
    %add3A_27 = vector.broadcast %get3A_26 : vector<1x128xf32> to vector<1024x128xf32>
    %add3A_28 = arith.addf %mul3A_23, %add3A_27 : vector<1024x128xf32>
    %max3A = arith.constant 0.000000e+00 : f32
    %max3A_29 = vector.broadcast %max3A : f32 to vector<1024x128xf32>
    %max3A_30 = arith.maximumf %add3A_28, %max3A_29 : vector<1024x128xf32>
    %get3A_31 = arith.constant 0 : index
    %get3A_32 = arith.constant 0 : index
    %get3A_33 = vector.load %arg5[%get3A_31, %get3A_32] : memref<128x128xf32, #tpu.memory_space<vmem>>, vector<128x128xf32>
    %dot_general3A = arith.constant dense<0.000000e+00> : vector<1024x128xf32>
    %dot_general3A_34 = tpu.matmul %max3A_30, %get3A_33, %dot_general3A {dimension_numbers = #tpu.dot_dimension_numbers<[1], [0], [0], [1], [0, 0, 1, 1], [], []>, transpose_lhs_hint = false} : vector<1024x128xf32>, vector<128x128xf32>, vector<1024x128xf32> -> vector<1024x128xf32>
    %get3A_35 = arith.constant 0 : index
    %get3A_36 = arith.constant 0 : index
    %get3A_37 = vector.load %arg3[%get3A_35, %get3A_36] : memref<1024x4xf32, #tpu.memory_space<vmem>>, vector<1024x1xf32>
    %get3A_38 = arith.constant 0 : index
    %get3A_39 = arith.constant 2 : index
    %get3A_40 = vector.load %arg3[%get3A_38, %get3A_39] : memref<1024x4xf32, #tpu.memory_space<vmem>>, vector<1024x1xf32>
    %add3A_41 = arith.addf %get3A_37, %get3A_40 : vector<1024x1xf32>
    %add3A_42 = arith.constant 1.000000e+00 : f32
    %add3A_43 = vector.broadcast %add3A_42 : f32 to vector<1024x1xf32>
    %add3A_44 = arith.addf %add3A_41, %add3A_43 : vector<1024x1xf32>
    %rsqrt3A_45 = math.rsqrt %add3A_44 : vector<1024x1xf32>
    %mul3A_46 = vector.broadcast %rsqrt3A_45 : vector<1024x1xf32> to vector<1024x128xf32>
    %mul3A_47 = arith.mulf %dot_general3A_34, %mul3A_46 : vector<1024x128xf32>
    %swap3A = arith.constant 0 : index
    %swap3A_48 = arith.constant 0 : index
    %swap3A_49 = vector.load %arg6[%swap3A, %swap3A_48] : memref<1024x128xf32, #tpu.memory_space<vmem>>, vector<1024x128xf32>
    tpu.vector_store %arg6[%swap3A, %swap3A_48], %mul3A_47 {strides = array<i32>} : memref<1024x128xf32, #tpu.memory_space<vmem>>, vector<1024x128xf32>,
    return
  }
  func.func @transform_0(%arg0: i32) -> (i32, i32, i32) {
    %c0_i32 = arith.constant 0 : i32
    %c0_i32_0 = arith.constant 0 : i32
    %c0_i32_1 = arith.constant 0 : i32
    return %c0_i32, %arg0, %c0_i32_0 : i32, i32, i32
  }
  func.func @transform_1(%arg0: i32) -> (i32, i32) {
    %c0_i32 = arith.constant 0 : i32
    %c0_i32_0 = arith.constant 0 : i32
    return %arg0, %c0_i32 : i32, i32
  }
  func.func @transform_2(%arg0: i32) -> (i32, i32) {
    %c0_i32 = arith.constant 0 : i32
    %c0_i32_0 = arith.constant 0 : i32
    return %arg0, %c0_i32 : i32, i32
  }
  func.func @transform_3(%arg0: i32) -> (i32, i32) {
    %c0_i32 = arith.constant 0 : i32
    %c0_i32_0 = arith.constant 0 : i32
    %c0_i32_1 = arith.constant 0 : i32
    return %c0_i32, %c0_i32_0 : i32, i32
  }
  func.func @transform_4(%arg0: i32) -> (i32, i32) {
    %c0_i32 = arith.constant 0 : i32
    %c0_i32_0 = arith.constant 0 : i32
    %c0_i32_1 = arith.constant 0 : i32
    return %c0_i32, %c0_i32_0 : i32, i32
  }
  func.func @transform_5(%arg0: i32) -> (i32, i32) {
    %c0_i32 = arith.constant 0 : i32
    %c0_i32_0 = arith.constant 0 : i32
    return %arg0, %c0_i32 : i32, i32
  }
}

module attributes {stable_mosaic.version = 14 : i64} {
  func.func @_tc_fin_body(%arg0: i32, %arg1: memref<2x1024x128xf32, #tpu.memory_space<vmem>>, %arg2: memref<1024x128xf32, #tpu.memory_space<vmem>>, %arg3: memref<1024x4xf32, #tpu.memory_space<vmem>>, %arg4: memref<1x128xf32, #tpu.memory_space<vmem>>, %arg5: memref<1024x128xf32, #tpu.memory_space<vmem>>) attributes {dimension_semantics = [#tpu.dimension_semantics<arbitrary>], iteration_bounds = array<i64: 10>, scalar_prefetch = 0 : i64, scratch_operands = 0 : i64, tpu.core_type = #tpu.core_type<tc>, window_params = [{transform_indices = @transform_0, window_bounds = array<i64: 2, 1024, 128>}, {transform_indices = @transform_1, window_bounds = array<i64: 1024, 128>}, {transform_indices = @transform_2, window_bounds = array<i64: 1024, 4>}, {pipeline_mode = #tpu.pipeline_mode<synchronous>, transform_indices = @transform_3, window_bounds = array<i64: 1, 128>}, {transform_indices = @transform_4, window_bounds = array<i64: 1024, 128>}]} {
    %get3A = arith.constant 0 : index
    %get3A_0 = arith.constant 0 : index
    %get3A_1 = arith.constant 0 : index
    %get3A_2 = vector.load %arg1[%get3A, %get3A_0, %get3A_1] : memref<2x1024x128xf32, #tpu.memory_space<vmem>>, vector<1x1024x128xf32>
    %get3A_3 = vector.shape_cast %get3A_2 : vector<1x1024x128xf32> to vector<1024x128xf32>
    %get3A_4 = arith.constant 1 : index
    %get3A_5 = arith.constant 0 : index
    %get3A_6 = arith.constant 0 : index
    %get3A_7 = vector.load %arg1[%get3A_4, %get3A_5, %get3A_6] : memref<2x1024x128xf32, #tpu.memory_space<vmem>>, vector<1x1024x128xf32>
    %get3A_8 = vector.shape_cast %get3A_7 : vector<1x1024x128xf32> to vector<1024x128xf32>
    %add3A = arith.addf %get3A_3, %get3A_8 : vector<1024x128xf32>
    %get3A_9 = arith.constant 0 : index
    %get3A_10 = arith.constant 0 : index
    %get3A_11 = vector.load %arg2[%get3A_9, %get3A_10] : memref<1024x128xf32, #tpu.memory_space<vmem>>, vector<1024x128xf32>
    %add3A_12 = arith.addf %add3A, %get3A_11 : vector<1024x128xf32>
    %get3A_13 = arith.constant 0 : index
    %get3A_14 = arith.constant 1 : index
    %get3A_15 = vector.load %arg3[%get3A_13, %get3A_14] : memref<1024x4xf32, #tpu.memory_space<vmem>>, vector<1024x1xf32>
    %get3A_16 = arith.constant 0 : index
    %get3A_17 = arith.constant 3 : index
    %get3A_18 = vector.load %arg3[%get3A_16, %get3A_17] : memref<1024x4xf32, #tpu.memory_space<vmem>>, vector<1024x1xf32>
    %add3A_19 = arith.addf %get3A_15, %get3A_18 : vector<1024x1xf32>
    %add3A_20 = arith.constant 1.000000e+00 : f32
    %add3A_21 = vector.broadcast %add3A_20 : f32 to vector<1024x1xf32>
    %add3A_22 = arith.addf %add3A_19, %add3A_21 : vector<1024x1xf32>
    %rsqrt3A = math.rsqrt %add3A_22 : vector<1024x1xf32>
    %mul3A = vector.broadcast %rsqrt3A : vector<1024x1xf32> to vector<1024x128xf32>
    %mul3A_23 = arith.mulf %mul3A, %add3A_12 : vector<1024x128xf32>
    %get3A_24 = arith.constant 0 : index
    %get3A_25 = arith.constant 0 : index
    %get3A_26 = vector.load %arg4[%get3A_24, %get3A_25] : memref<1x128xf32, #tpu.memory_space<vmem>>, vector<1x128xf32>
    %add3A_27 = vector.broadcast %get3A_26 : vector<1x128xf32> to vector<1024x128xf32>
    %add3A_28 = arith.addf %mul3A_23, %add3A_27 : vector<1024x128xf32>
    %swap3A = arith.constant 0 : index
    %swap3A_29 = arith.constant 0 : index
    %swap3A_30 = vector.load %arg5[%swap3A, %swap3A_29] : memref<1024x128xf32, #tpu.memory_space<vmem>>, vector<1024x128xf32>
    tpu.vector_store %arg5[%swap3A, %swap3A_29], %add3A_28 {strides = array<i32>} : memref<1024x128xf32, #tpu.memory_space<vmem>>, vector<1024x128xf32>,
    return
  }
  func.func @transform_0(%arg0: i32) -> (i32, i32, i32) {
    %c0_i32 = arith.constant 0 : i32
    %c0_i32_0 = arith.constant 0 : i32
    %c0_i32_1 = arith.constant 0 : i32
    return %c0_i32, %arg0, %c0_i32_0 : i32, i32, i32
  }
  func.func @transform_1(%arg0: i32) -> (i32, i32) {
    %c0_i32 = arith.constant 0 : i32
    %c0_i32_0 = arith.constant 0 : i32
    return %arg0, %c0_i32 : i32, i32
  }
  func.func @transform_2(%arg0: i32) -> (i32, i32) {
    %c0_i32 = arith.constant 0 : i32
    %c0_i32_0 = arith.constant 0 : i32
    return %arg0, %c0_i32 : i32, i32
  }
  func.func @transform_3(%arg0: i32) -> (i32, i32) {
    %c0_i32 = arith.constant 0 : i32
    %c0_i32_0 = arith.constant 0 : i32
    %c0_i32_1 = arith.constant 0 : i32
    return %c0_i32, %c0_i32_0 : i32, i32
  }
  func.func @transform_4(%arg0: i32) -> (i32, i32) {
    %c0_i32 = arith.constant 0 : i32
    %c0_i32_0 = arith.constant 0 : i32
    return %arg0, %c0_i32 : i32, i32
  }
}

</mosaic_0001>

<sc_bundles>
// kernel: kernel.11.cloned.1.call-start
scs
__scs_entry_jumppad:
0x0: {  	(pc) =	sbr.rel $0x88, $3  }
0x1: {  	(tag) =	ssettag $0x0;
	lr =	simm.s32 $0x1  }
0x2: {  	[smem:$0x3F9B] =	sst lr;
	_ =	strace $0xD0000000  }
0x3: {  	_ = 	snop  }
0x4: {  	_ = 	snop  }
0x5: {  	_ = 	snop  }
0x6: {  	_ = 	snop  }
0x7: {  	_ = 	snop  }
__scs_overlays_trampoline_lowered:
0x8: {  	[smem:$0x3FAA] =	sst s0  }
0x9: {  	[smem:$0x3FAB] =	sst s1  }
0xa: {  	[smem:$0x3FAC] =	sst s2  }
0xb: {  	[smem:$0x3FAD] =	sst s3  }
0xc: {  	[smem:$0x3FAE] =	sst s4  }
0xd: {  	[smem:$0x3FAF] =	sst s5  }
0xe: {  	[smem:$0x3FB0] =	sst s6  }
0xf: {  	[smem:$0x3FB1] =	sst s7  }
0x10: {  	[smem:$0x3FB2] =	sst s8  }
0x11: {  	[smem:$0x3FB3] =	sst s9;
	s0 =	simm.s32 @!p0 $0x0  }
0x12: {  	s1 =	sld [smem:$0x3F99];
	s0 =	simm.s32 @p0 $0x1  }
0x13: {  	[smem:$0x3FB4] =	sst s0;
	s0 =	simm.s32 @!p1 $0x0  }
0x14: {  	s2 =	sld [smem:$0x3F98];
	s0 =	simm.s32 @p1 $0x1  }
0x15: {  	[smem:$0x3FB5] =	sst s0;
	s0 =	simm.s32 @!p2 $0x0  }
0x16: {  	s3 =	sld [smem:$0x3FDB];
	s0 =	simm.s32 @p2 $0x1  }
0x17: {  	s4 =	simm.s32 $0x1BF5;
	[smem:$0x3FB7] =	sst s0  }
0x18: {  	s0 =	sld [smem:$0x3F9A];
	_ =	swait.ge [sflag:s4], $0x0  }
0x19: {  	s7 =	sld [smem:$0x3F9B]  }
0x1a: {  	s8 =	sadd.s32 $0xFFFFE003, lr  }
0x1b: {  	s9 =	sadd.s32 $0xFFFFFEF7, lr;
	s5 =	simm.s32 $0xFFFFFFFF;
	p2 =	slt.u32 s8, $0xFFFFF086  }
0x1c: {  	p1 =	slt.u32 s9, $0xF7A;
	s5 =	simm.s32 @!p2 $0x0  }
0x1d: {  	s5 =	simm.s32 @p1 $0x1;
	p0 =	seq.s32 s7, s2  }
0x1e: {  	s7 =	smul.u32 @!p0 $0xF7A, s2;
	p2 =	seq.s32 @!p0 s5, $0x0  }
0x1f: {  	s9 =	smul.u32 $0xF7A, s1;
	s8 =	simm.s32 @!p0 $0x1BF5;
	p2 =	por !p2, p0  }
0x20: {  	[sflag:s8] =	ssyncset.s32 @!p0 $0xFFFFF086;
	s6 =	sadd.s32 @!p0 s3, s7;
	s7 =	simm.s32 @!p0 $0x108  }
0x21: {  	s3 =	sadd.s32 s3, s9;
	s6 =	sadd.s32 @!p0 $0x88, s6;
	s7 =	simm.s32 @p2 $0x1082  }
0x22: {  	[simem:s7], [sflag:s8] =	dma.local @!p0 [hbm:s6], $0xF7A  }
0x23: {  	s9 =	sor.u32 $0xD0000000, s2;
	s6 =	simm.s32 $0x108;
	_ =	swait.ge @!p0 [sflag:s8], $0x0  }
0x24: {  	s3 =	sadd.s32 $0x88, s3;
	s6 =	simm.s32 @!p1 $0x1082;
	[sflag:s4] =	ssyncset.s32 $0xFFFFF086  }
0x25: {  	[simem:s6], [sflag:s4] =	dma.local [hbm:s3], $0xF7A  }
0x26: {  	[smem:$0x3F9B] =	sst s1;
	(tag) =	ssettag s2;
	_ =	strace s9  }
0x27: {  	s1 =	sld [smem:$0x3FAB]  }
0x28: {  	s2 =	sld [smem:$0x3FAC]  }
0x29: {  	s4 =	sld [smem:$0x3FAE]  }
0x2a: {  	p0 =	seq.s32 s5, $0x0;
	s5 =	sld [smem:$0x3FAF]  }
0x2b: {  	s6 =	sld [smem:$0x3FB0]  }
0x2c: {  	s7 =	sld [smem:$0x3FB1]  }
0x2d: {  	s3 =	simm.s32 $0x108;
	s8 =	sld [smem:$0x3FB2]  }
0x2e: {  	s3 =	simm.s32 @!p0 $0x1082;
	s9 =	sld [smem:$0x3FB3]  }
0x2f: {  	lr =	sadd.s32 s0, s3;
	s0 =	sld [smem:$0x3FAA]  }
0x30: {  	s3 =	sld [smem:$0x3FAD]  }
0x31: {  	[smem:$0x3FB6] =	sst s10  }
0x32: {  	s10 =	sld [smem:$0x3FB4];
	_ =	sdelay $0x3  }
0x33: {  	p0 =	seq.s32 s10, $0x1;
	s10 =	sld [smem:$0x3FB6];
	_ =	sdelay $0x3  }
0x34: {  	[smem:$0x3FB6] =	sst s10  }
0x35: {  	s10 =	sld [smem:$0x3FB5];
	_ =	sdelay $0x3  }
0x36: {  	p1 =	seq.s32 s10, $0x1;
	s10 =	sld [smem:$0x3FB6];
	_ =	sdelay $0x3  }
0x37: {  	[smem:$0x3FB6] =	sst s10  }
0x38: {  	s10 =	sld [smem:$0x3FB7]  }
0x39: {  	_ = 	snop;
	(pc) =	sbr.ind lr, $3  }
0x3a: {  	_ = 	snop  }
0x3b: {  	_ = 	snop  }
0x3c: {  	p2 =	seq.s32 s10, $0x1;
	s10 =	sld [smem:$0x3FB6]  }
0x3d: {  	_ =	shalt  }
0x3e: {  	_ =	shalt  }
0x3f: {  	_ =	shalt  }
0x40: {  	_ =	shalt  }
0x41: {  	_ =	shalt  }
0x42: {  	_ =	shalt  }
0x43: {  	_ =	shalt  }
0x44: {  	_ =	shalt  }
0x45: {  	_ =	shalt  }
0x46: {  	_ =	shalt  }
0x47: {  	_ =	shalt  }
0x48: {  	_ =	shalt  }
0x49: {  	_ =	shalt  }
0x4a: {  	_ =	shalt  }
0x4b: {  	_ =	shalt  }
0x4c: {  	_ =	shalt  }
0x4d: {  	_ =	shalt  }
0x4e: {  	_ =	shalt  }
0x4f: {  	_ =	shalt  }
0x50: {  	_ =	shalt  }
0x51: {  	_ =	shalt  }
0x52: {  	_ =	shalt  }
0x53: {  	_ =	shalt  }
0x54: {  	_ =	shalt  }
0x55: {  	_ =	shalt  }
0x56: {  	_ =	shalt  }
0x57: {  	_ =	shalt  }
0x58: {  	_ =	shalt  }
0x59: {  	_ =	shalt  }
0x5a: {  	_ =	shalt  }
0x5b: {  	_ =	shalt  }
0x5c: {  	_ =	shalt  }
0x5d: {  	_ =	shalt  }
0x5e: {  	_ =	shalt  }
0x5f: {  	_ =	shalt  }
0x60: {  	_ =	shalt  }
0x61: {  	_ =	shalt  }
0x62: {  	_ =	shalt  }
0x63: {  	_ =	shalt  }
0x64: {  	_ =	shalt  }
0x65: {  	_ =	shalt  }
0x66: {  	_ =	shalt  }
0x67: {  	_ =	shalt  }
0x68: {  	_ =	shalt  }
0x69: {  	_ =	shalt  }
0x6a: {  	_ =	shalt  }
0x6b: {  	_ =	shalt  }
0x6c: {  	_ =	shalt  }
0x6d: {  	_ =	shalt  }
0x6e: {  	_ =	shalt  }
0x6f: {  	_ =	shalt  }
0x70: {  	_ =	shalt  }
0x71: {  	_ =	shalt  }
0x72: {  	_ =	shalt  }
0x73: {  	_ =	shalt  }
0x74: {  	_ =	shalt  }
0x75: {  	_ =	shalt  }
0x76: {  	_ =	shalt  }
0x77: {  	_ =	shalt  }
0x78: {  	_ =	shalt  }
0x79: {  	_ =	shalt  }
0x7a: {  	_ =	shalt  }
0x7b: {  	_ =	shalt  }
0x7c: {  	_ =	shalt  }
0x7d: {  	_ =	shalt  }
0x7e: {  	_ =	shalt  }
0x7f: {  	_ =	shalt  }
0x80: {  	_ =	shalt  }
0x81: {  	_ =	shalt  }
0x82: {  	_ =	shalt  }
0x83: {  	_ =	shalt  }
0x84: {  	_ =	shalt  }
0x85: {  	_ =	shalt  }
0x86: {  	_ =	shalt  }
0x87: {  	_ =	shalt  }
.Lfunc_end0:
.L_simem_size_0:
called_computation.1_lowered:
.L_overlay_start_0:
0x88: {  	s2 =	sld [smem:$0x3FD9]  }
0x89: {  	s3 =	sld [smem:$0x3FFE];
	_ =	sdelay $0x1  }
0x8a: {  	s1 =	srdreg.scid  }
0x8b: {  	s0 =	sand.u32 $0x1, s1  }
0x8c: {  	s17 =	sshll.u32 s0, $0xA;
	s2 =	sadd.s32 s3, s2  }
0x8d: {  	s2 =	sadd.s32 s2, s17  }
0x8e: {  	[smem:$0x3FC2] =	sst s2  }
0x8f: {  	_ = 	snop  }
0x90: {  	s2 =	sld [smem:$0x3FD0];
	(tm) =	ssettm $0x1  }
0x91: {  	s18 =	sld [smem:$0x3FFB];
	_ =	sdelay $0x3  }
0x92: {  	_ =	strace s18  }
0x93: {  	s3 =	sld [smem:$0x3FFC];
	_ =	sdelay $0x3  }
0x94: {  	_ =	strace s3  }
0x95: {  	s3 =	sld [smem:$0x3FFD];
	_ =	sdelay $0x3  }
0x96: {  	_ =	strace s3  }
0x97: {  	_ =	strace $0x8FFFFFFF  }
0x98: {  	s19 =	sld [smem:$0x3FDB];
	_ =	sdelay $0x1  }
0x99: {  	s4 =	simm.s32 $_scs_section_size  }
0x9a: {  	s5 =	simm.s32 $_size__tile_overlayer_lowered;
	s6 =	simm.s32 $_tile_overlayer_lowered  }
0x9b: {  	s22 =	simm.s32 $0x1BFF;
	s21 =	sshll.u32 s6, $0x1;
	s3 =	sadd.s32 s4, s19  }
0x9c: {  	s7 =	simm.s32 $0x0;
	s20 =	sshll.u32 s5, $0x1;
	s5 =	sadd.s32 s21, s3  }
0x9d: {  	[timem:s7], [sflag:s22] =	dma.local [hbm:s5], s20  }
0x9e: {  	_ =	swait.ge [sflag:s22], s20  }
0x9f: {  	s4 =	ssub.s32 $0x0, s20;
	[sflag:s22] =	ssyncset.done $0x0  }
0xa0: {  	[sflag:s22] =	ssyncadd.s32 s4;
	_ =	sdelay $0x1  }
0xa1: {  	s23 =	simm.s32 $0x1B8B  }
0xa2: {  	_ =	swait.ge [sflag:s23], $0x1  }
0xa3: {  	[sflag:s23] =	ssyncset.done $0x0  }
0xa4: {  	s25 =	simm.s32 $0x1B8E;
	s24 =	sld [smem:$0x3FFE];
	[sflag:s23] =	ssyncadd.s32 $0xFFFFFFFF  }
0xa5: {  	s26 =	simm.s32 $execute0_lowered;
	[smem:$0x3FD2] =	sst s25  }
0xa6: {  	s5 =	sshll.u32 s26, $0x1;
	_ =	strace $0x80000049;
	[dreg:$0x1] =	wrdreg $0xFFFFFFFF  }
0xa7: {  	s28 =	simm.s32 $_size_execute0_lowered;
	s3 =	sadd.s32 s3, s5;
	[dreg:$0x0] =	wrdreg $0x0  }
0xa8: {  	s5 =	sshll.u32 s28, $0x1;
	[dreg:$0x2] =	wrdreg s3  }
0xa9: {  	[dreg:$0x3] =	wrdreg s5  }
0xaa: {  	[dreg:$0x4] =	wrdreg $0xC0  }
0xab: {  	_ =	task [dreg:s7], $0x5FFFF  }
0xac: {  	[dreg:$0x1] =	wrdreg $0xFFFFFFFF  }
0xad: {  	[dreg:$0x0] =	wrdreg $0x60  }
0xae: {  	[dreg:$0x2] =	wrdreg s24  }
0xaf: {  	[dreg:$0x3] =	wrdreg s2  }
0xb0: {  	[dreg:$0x4] =	wrdreg $0x41000  }
0xb1: {  	[dreg:$0x5] =	wrdreg $0x9  }
0xb2: {  	_ =	task.clear_ibuf [dreg:s7], $0x6FFFF;
	_ =	strace $0x90000049  }
0xb3: {  	s29 =	simm.s32 $0x9;
	_ =	strace $0x8000004B  }
0xb4: {  	_ =	swait.ge [sflag:s29], $0x1  }
0xb5: {  	[sflag:s29] =	ssyncadd.s32 $0xFFFFFFFF  }
0xb6: {  	_ =	strace $0x9000004B  }
0xb7: {  	_ =	sfence  }
0xb8: {  	s30 =	sld [smem:$0x0];
	_ =	sdelay $0x2  }
0xb9: {  	s31 =	sshll.u32 s1, $0xD;
	s1 =	sshrl.u32 s1, $0x2  }
0xba: {  	s3 =	sand.u32 $0x4000, s31;
	s1 =	sadd.s32 s1, s30  }
0xbb: {  	s0 =	sor.u32 s3, s0;
	s1 =	sshll.u32 s1, $0x11  }
0xbc: {  	s0 =	sor.u32 s1, s0  }
0xbd: {  	s0 =	sadd.s32 $0x8F2B, s0  }
0xbe: {  	[sflag:s0] =	ssyncadd.remote.s32 $0x1  }
0xbf: {  	_ =	sfence.sel $0xFFFF  }
0xc0: {  	[dreg:$0x0] =	wrdreg $0xFFFFFFFF;
	(pc) =	sbr.abs _section_cstart, $3  }
0xc1: {  	[dreg:$0x1] =	wrdreg $0xFFFFFFFF  }
0xc2: {  	_ =	task.clear_ibuf [dreg:s7], $0x2FFFF;
	_ =	strace $0x9FFFFFFF  }
0xc3: {  	(tm) =	ssettm $0x7FFFFFFF  }
tec
execute0_lowered:
.L_overlay_start_1:
0x0: {  	(tag) =	ssettag $0x1  }
0x1: {  	s6 =	rddreg [dreg:$0x0]  }
0x2: {  	s16 =	rddreg [dreg:$0x1]  }
0x3: {  	s2 =	rddreg [dreg:$0x2]  }
0x4: {  	s0 =	rddreg [dreg:$0x3];
	s3 =	simm.s32 $0x0;
	s1 =	stileid.u32  }
0x5: {  	s5 =	srdreg.scid;
	s23 =	simm.s32 $0x0;
	s17 =	smul.u32 $0x9E0, s1  }
0x6: {  	[smem:$0x7FF] =	sst s3;
	s4 =	sadd.s32 $0xC200, s6;
	s7 =	smul.u32 $0x50000, s1  }
0x7: {  	s14 =	sand.u32 $0x1, s5;
	s11 =	smul.u32 $0x14000, s1;
	s5 =	sadd.s32 $0x34200, s6  }
0x8: {  	s15 =	sadd.s32 $0x34A00, s6;
	_ =	strace $0x8000004A;
	s21 =	smul.u32 $0x140000, s14  }
0x9: {  	s30 =	ssub.s32 $0x2, s14;
	s31 =	smul.u32 $0x4F0, s14;
	s18 =	sadd.s32 s17, s6  }
0xa: {  	s8 =	sshrl.u32 s30, $0x1;
	s7 =	sshrl.u32 s7, $0x2;
	s12 =	sadd.s32 $0x4000, s11  }
0xb: {  	s13 =	sadd.s32 $0x8000, s11;
	s20 =	sadd.s32 $0xC000, s11;
	s22 =	sadd.s32 $0x10000, s11  }
0xc: {  	s17 =	sadd.s32 s17, s16;
	s19 =	ssub.s32 s30, s8;
	s6 =	sadd.s32 s7, s2  }
0xd: {  	s7 =	sadd.s32 s12, s2;
	s8 =	sadd.s32 s13, s2;
	s9 =	sadd.s32 s20, s2  }
0xe: {  	s10 =	sadd.s32 s22, s2;
	s11 =	sadd.s32 s11, s21;
	s12 =	sadd.s32 s21, s12  }
0xf: {  	s13 =	sadd.s32 s21, s13;
	s20 =	sadd.s32 s21, s20;
	s21 =	sadd.s32 s21, s22  }
0x10: {  	s17 =	sadd.s32 s31, s17;
	s18 =	sadd.s32 s31, s18;
	s22 =	simm.s32 $0x1  }
0x11: {  	s11 =	sshrl.u32 s11, $0x3;
	s12 =	sshrl.u32 s12, $0x3;
	s13 =	sshrl.u32 s13, $0x3  }
0x12: {  	s20 =	sshrl.u32 s20, $0x3;
	s21 =	sshrl.u32 s21, $0x3;
	s16 =	smax.u32 s19, $0x1  }
0x13: {  	s18 =	sadd.s32 $0x2400, s18;
	s19 =	simm.s32 $0x100;
	s11 =	sadd.s32 s15, s11  }
0x14: {  	s12 =	sadd.s32 s15, s12;
	s13 =	sadd.s32 s15, s13;
	s14 =	sadd.s32 s15, s20  }
0x15: {  	s15 =	sadd.s32 s15, s21;
	s20 =	simm.s32 $0x2;
	s21 =	simm.s32 $0x80  }
.LBB2_1:
0x16: {  	[tilespmem:s19], [sflag:$0x2] =	stream.linear.gather [hbm4b:s5+s3], $0x4000, $0x38;
	[tilespmem:$0x18100] =	vst v63  }
0x17: {  	_ =	swait.ge [sflag:s20], $0x4000  }
0x18: {  	[sflag:s20] =	ssyncset.done $0x0  }
0x19: {  	[sflag:s20] =	ssyncadd.s32 $0xFFFFC000  }
0x1a: {  	[spmem:s6] =	stream.linear.scatter [tilespmem:s19], [sflag:$0x2], $0x4000, $0x38;
	[tilespmem:$0x18100] =	vst v63  }
0x1b: {  	_ =	swait.ge [sflag:s20], $0x4000  }
0x1c: {  	[sflag:s20] =	ssyncset.done $0x0  }
0x1d: {  	[sflag:s20] =	ssyncadd.s32 $0xFFFFC000  }
0x1e: {  	[spmem:s7] =	stream.linear.scatter [tilespmem:s19], [sflag:$0x2], $0x4000, $0x38;
	[tilespmem:$0x18100] =	vst v63  }
0x1f: {  	_ =	swait.ge [sflag:s20], $0x4000  }
0x20: {  	[sflag:s20] =	ssyncset.done $0x0  }
0x21: {  	[sflag:s20] =	ssyncadd.s32 $0xFFFFC000  }
0x22: {  	[spmem:s8] =	stream.linear.scatter [tilespmem:s19], [sflag:$0x2], $0x4000, $0x38;
	[tilespmem:$0x18100] =	vst v63  }
0x23: {  	_ =	swait.ge [sflag:s20], $0x4000  }
0x24: {  	[sflag:s20] =	ssyncset.done $0x0  }
0x25: {  	[sflag:s20] =	ssyncadd.s32 $0xFFFFC000  }
0x26: {  	[spmem:s9] =	stream.linear.scatter [tilespmem:s19], [sflag:$0x2], $0x4000, $0x38;
	[tilespmem:$0x18100] =	vst v63  }
0x27: {  	_ =	swait.ge [sflag:s20], $0x4000  }
0x28: {  	[sflag:s20] =	ssyncset.done $0x0  }
0x29: {  	[sflag:s20] =	ssyncadd.s32 $0xFFFFC000  }
0x2a: {  	[spmem:s10] =	stream.linear.scatter [tilespmem:s19], [sflag:$0x2], $0x4000, $0x38;
	[tilespmem:$0x18100] =	vst v63  }
0x2b: {  	_ =	swait.ge [sflag:s20], $0x4000  }
0x2c: {  	[sflag:s20] =	ssyncset.done $0x0  }
0x2d: {  	[sflag:s20] =	ssyncadd.s32 $0xFFFFC000  }
0x2e: {  	s24 =	sadd.s32 $0x0, s18;
	[bflag:$0x0] =	sbarrier.arrive $0xFFFF  }
0x2f: {  	[tilespmem:s3], [sflag:$0x2] =	stream.linear.gather [hbm4b:s24+s3], $0x80, $0x38;
	[tilespmem:$0x18100] =	vst v63  }
0x30: {  	_ =	swait.ge [sflag:s20], $0x80  }
0x31: {  	[sflag:s20] =	ssyncset.done $0x0  }
0x32: {  	[sflag:s20] =	ssyncadd.s32 $0xFFFFFF80  }
0x33: {  	[tilespmem:s19], [sflag:$0x1] =	stream.indirect.gather [hbm4b:s4+s21], $0x80, s3, s21, $0xb8;
	[tilespmem:$0x18100] =	vst v63  }
0x34: {  	_ =	swait.ge [sflag:s22], $0x4000  }
0x35: {  	[sflag:s22] =	ssyncset.done $0x0  }
0x36: {  	s31 =	sadd.s32 $0x0, s17;
	[sflag:s22] =	ssyncadd.s32 $0xFFFFC000  }
0x37: {  	[tilespmem:s21], [sflag:$0x2] =	stream.linear.gather [hbm4b:s31+s3], $0x80, $0x38;
	[tilespmem:$0x18100] =	vst v63  }
0x38: {  	_ =	swait.ge [sflag:s20], $0x80  }
0x39: {  	[sflag:s20] =	ssyncset.done $0x0  }
0x3a: {  	[sflag:s20] =	ssyncadd.s32 $0xFFFFFF80  }
0x3b: {  	[spmem:s2] =	stream.indirect.scatter.add.f32 [tilespmem:s19], [sflag:$0x2], $0x80, s21, s21, $0xb8;
	[tilespmem:$0x18100] =	vst v63  }
0x3c: {  	_ =	swait.ge [sflag:s20], $0x4000  }
0x3d: {  	s25 =	simm.s32 $0x20;
	s24 =	simm.s32 $0x10;
	[sflag:s20] =	ssyncset.done $0x0  }
.LBB2_2:
0x3e: {  	s26 =	sadd.s32 s24, s18  }
0x3f: {  	[sflag:s20] =	ssyncadd.s32 $0xFFFFC000;
	s28 =	smov.u32 s25;
	s29 =	sadd.s32 $0x10, s25  }
0x40: {  	[tilespmem:s3], [sflag:$0x2] =	stream.linear.gather [hbm4b:s26+s3], $0x80, $0x38;
	[tilespmem:$0x18100] =	vst v63  }
0x41: {  	p0 =	sne.s32 s25, $0x4E0;
	_ =	swait.ge [sflag:s20], $0x80  }
0x42: {  	[sflag:s20] =	ssyncset.done $0x0  }
0x43: {  	[sflag:s20] =	ssyncadd.s32 $0xFFFFFF80  }
0x44: {  	[tilespmem:s19], [sflag:$0x1] =	stream.indirect.gather [hbm4b:s4+s21], $0x80, s3, s21, $0xb8;
	[tilespmem:$0x18100] =	vst v63  }
0x45: {  	_ =	swait.ge [sflag:s22], $0x4000  }
0x46: {  	[sflag:s22] =	ssyncset.done $0x0  }
0x47: {  	s25 =	sadd.s32 s24, s17;
	s24 =	smov.u32 s28;
	[sflag:s22] =	ssyncadd.s32 $0xFFFFC000  }
0x48: {  	[tilespmem:s21], [sflag:$0x2] =	stream.linear.gather [hbm4b:s25+s3], $0x80, $0x38;
	[tilespmem:$0x18100] =	vst v63  }
0x49: {  	_ =	swait.ge [sflag:s20], $0x80  }
.Ltmp0:
0x4a: {  	[sflag:s20] =	ssyncset.done $0x0;
	(pc) =	sbr.rel @p0 .LBB2_2-.Ltmp0, $4  }
0x4b: {  	[sflag:s20] =	ssyncadd.s32 $0xFFFFFF80  }
0x4c: {  	[spmem:s2] =	stream.indirect.scatter.add.f32 [tilespmem:s19], [sflag:$0x2], $0x80, s21, s21, $0xb8;
	[tilespmem:$0x18100] =	vst v63  }
0x4d: {  	_ =	swait.ge [sflag:s20], $0x4000  }
0x4e: {  	s25 =	smov.u32 s29;
	[sflag:s20] =	ssyncset.done $0x0  }
0x4f: {  	s25 =	sadd.s32 s24, s18;
	[sflag:s20] =	ssyncadd.s32 $0xFFFFC000  }
0x50: {  	[tilespmem:s3], [sflag:$0x2] =	stream.linear.gather [hbm4b:s25+s3], $0x80, $0x38;
	[tilespmem:$0x18100] =	vst v63  }
0x51: {  	_ =	swait.ge [sflag:s20], $0x80  }
0x52: {  	[sflag:s20] =	ssyncset.done $0x0  }
0x53: {  	[sflag:s20] =	ssyncadd.s32 $0xFFFFFF80  }
0x54: {  	[tilespmem:s19], [sflag:$0x1] =	stream.indirect.gather [hbm4b:s4+s21], $0x80, s3, s21, $0xb8;
	[tilespmem:$0x18100] =	vst v63  }
0x55: {  	_ =	swait.ge [sflag:s22], $0x4000  }
0x56: {  	[sflag:s22] =	ssyncset.done $0x0  }
0x57: {  	s31 =	sadd.s32 s24, s17;
	[sflag:s22] =	ssyncadd.s32 $0xFFFFC000  }
0x58: {  	[tilespmem:s21], [sflag:$0x2] =	stream.linear.gather [hbm4b:s31+s3], $0x80, $0x38;
	[tilespmem:$0x18100] =	vst v63  }
0x59: {  	_ =	swait.ge [sflag:s20], $0x80  }
0x5a: {  	[sflag:s20] =	ssyncset.done $0x0  }
0x5b: {  	[sflag:s20] =	ssyncadd.s32 $0xFFFFFF80  }
0x5c: {  	[spmem:s2] =	stream.indirect.scatter.add.f32 [tilespmem:s19], [sflag:$0x2], $0x80, s21, s21, $0xb8;
	[tilespmem:$0x18100] =	vst v63  }
0x5d: {  	_ =	swait.ge [sflag:s20], $0x4000  }
0x5e: {  	[sflag:s20] =	ssyncset.done $0x0  }
0x5f: {  	[sflag:s20] =	ssyncadd.s32 $0xFFFFC000  }
0x60: {  	[bflag:$0x0] =	sbarrier.arrive $0xFFFF  }
0x61: {  	[tilespmem:s19], [sflag:$0x2] =	stream.linear.gather [spmem:s6], $0x4000, $0x38;
	[tilespmem:$0x18100] =	vst v63  }
0x62: {  	_ =	swait.ge [sflag:s20], $0x4000  }
0x63: {  	[sflag:s20] =	ssyncset.done $0x0  }
0x64: {  	[sflag:s20] =	ssyncadd.s32 $0xFFFFC000  }
0x65: {  	[hbm4b:s11+s3] =	stream.linear.scatter [tilespmem:s19], [sflag:$0x2], $0x4000, $0x38;
	[tilespmem:$0x18100] =	vst v63  }
0x66: {  	_ =	swait.ge [sflag:s20], $0x4000  }
0x67: {  	[sflag:s20] =	ssyncset.done $0x0  }
0x68: {  	[sflag:s20] =	ssyncadd.s32 $0xFFFFC000  }
0x69: {  	[tilespmem:s19], [sflag:$0x2] =	stream.linear.gather [spmem:s7], $0x4000, $0x38;
	[tilespmem:$0x18100] =	vst v63  }
0x6a: {  	_ =	swait.ge [sflag:s20], $0x4000  }
0x6b: {  	[sflag:s20] =	ssyncset.done $0x0  }
0x6c: {  	[sflag:s20] =	ssyncadd.s32 $0xFFFFC000  }
0x6d: {  	[hbm4b:s12+s3] =	stream.linear.scatter [tilespmem:s19], [sflag:$0x2], $0x4000, $0x38;
	[tilespmem:$0x18100] =	vst v63  }
0x6e: {  	_ =	swait.ge [sflag:s20], $0x4000  }
0x6f: {  	[sflag:s20] =	ssyncset.done $0x0  }
0x70: {  	[sflag:s20] =	ssyncadd.s32 $0xFFFFC000  }
0x71: {  	[tilespmem:s19], [sflag:$0x2] =	stream.linear.gather [spmem:s8], $0x4000, $0x38;
	[tilespmem:$0x18100] =	vst v63  }
0x72: {  	_ =	swait.ge [sflag:s20], $0x4000  }
0x73: {  	[sflag:s20] =	ssyncset.done $0x0  }
0x74: {  	[sflag:s20] =	ssyncadd.s32 $0xFFFFC000  }
0x75: {  	[hbm4b:s13+s3] =	stream.linear.scatter [tilespmem:s19], [sflag:$0x2], $0x4000, $0x38;
	[tilespmem:$0x18100] =	vst v63  }
0x76: {  	_ =	swait.ge [sflag:s20], $0x4000  }
0x77: {  	[sflag:s20] =	ssyncset.done $0x0  }
0x78: {  	[sflag:s20] =	ssyncadd.s32 $0xFFFFC000  }
0x79: {  	[tilespmem:s19], [sflag:$0x2] =	stream.linear.gather [spmem:s9], $0x4000, $0x38;
	[tilespmem:$0x18100] =	vst v63  }
0x7a: {  	_ =	swait.ge [sflag:s20], $0x4000  }
0x7b: {  	[sflag:s20] =	ssyncset.done $0x0  }
0x7c: {  	[sflag:s20] =	ssyncadd.s32 $0xFFFFC000  }
0x7d: {  	[hbm4b:s14+s3] =	stream.linear.scatter [tilespmem:s19], [sflag:$0x2], $0x4000, $0x38;
	[tilespmem:$0x18100] =	vst v63  }
0x7e: {  	_ =	swait.ge [sflag:s20], $0x4000  }
0x7f: {  	[sflag:s20] =	ssyncset.done $0x0  }
0x80: {  	[sflag:s20] =	ssyncadd.s32 $0xFFFFC000  }
0x81: {  	[tilespmem:s19], [sflag:$0x2] =	stream.linear.gather [spmem:s10], $0x4000, $0x38;
	[tilespmem:$0x18100] =	vst v63  }
0x82: {  	s23 =	sadd.s32 $0x1, s23;
	_ =	swait.ge [sflag:s20], $0x4000  }
0x83: {  	p0 =	sne.s32 s23, s16;
	[sflag:s20] =	ssyncset.done $0x0  }
.Ltmp1:
0x84: {  	[sflag:s20] =	ssyncadd.s32 $0xFFFFC000;
	(pc) =	sbr.rel @p0 .LBB2_1-.Ltmp1, $4  }
0x85: {  	[hbm4b:s15+s3] =	stream.linear.scatter [tilespmem:s19], [sflag:$0x2], $0x4000, $0x38;
	[tilespmem:$0x18100] =	vst v63  }
0x86: {  	_ =	swait.ge [sflag:s20], $0x4000  }
0x87: {  	[sflag:s20] =	ssyncset.done $0x0  }
0x88: {  	[sflag:s20] =	ssyncadd.s32 $0xFFFFC000  }
0x89: {  	_ =	sfence.sel $0x180000  }
0x8a: {  	[bflag:$0x0] =	sbarrier.arrive $0xFFFF  }
0x8b: {  	p0 =	sne.s32 s1, $0x0;
	_ =	strace $0x9000004A  }
0x8c: {  	s0 =	sadd.s32 @!p0 $0x100000, s0;
	[bflag:$0x2] =	sbarrier.arrive $0xFFFF  }
0x8d: {  	[sflag:s0] =	ssyncadd.tile.s32 @!p0 $0x1;
	_ =	shalt  }
.Lfunc_end2:
_tile_overlayer_lowered:
.L_overlay_start_2:
0x8e: {  	(tag) =	ssettag $0x2  }
0x8f: {  	s0 =	rddreg [dreg:$0x0];
	s2 =	stileid.u32  }
0x90: {  	s1 =	rddreg [dreg:$0x1];
	p0 =	sne.s32 s2, $0x0  }
0x91: {  	s3 =	rddreg [dreg:$0x2];
	[bflag:$0x3] =	sbarrier.arrive $0xFFFF;
	s2 =	simm.s32 @!p0 $0x1C02  }
0x92: {  	[timem:s3], [sflag:s2] =	dma.local @!p0 [hbm:s0], s1  }
0x93: {  	s0 =	simm.s32 @!p0 $0x2  }
0x94: {  	_ =	swait.ge @!p0 [sflag:s0], s1  }
0x95: {  	s1 =	ssub.s32 @!p0 $0x0, s1;
	[sflag:s0] =	ssyncset.done @!p0 $0x0  }
0x96: {  	[sflag:s0] =	ssyncadd.s32 @!p0 s1  }
0x97: {  	[bflag:$0x3] =	sbarrier.arrive $0xFFFF  }
0x98: {  	_ =	shalt  }

// kernel: kernel.14.cloned.1.call-start
scs
__scs_entry_jumppad:
0x0: {  	(pc) =	sbr.rel $0x88, $3  }
0x1: {  	(tag) =	ssettag $0x0;
	lr =	simm.s32 $0x1  }
0x2: {  	[smem:$0x3F9B] =	sst lr;
	_ =	strace $0xD0000000  }
0x3: {  	_ = 	snop  }
0x4: {  	_ = 	snop  }
0x5: {  	_ = 	snop  }
0x6: {  	_ = 	snop  }
0x7: {  	_ = 	snop  }
__scs_overlays_trampoline_lowered:
0x8: {  	[smem:$0x3FAA] =	sst s0  }
0x9: {  	[smem:$0x3FAB] =	sst s1  }
0xa: {  	[smem:$0x3FAC] =	sst s2  }
0xb: {  	[smem:$0x3FAD] =	sst s3  }
0xc: {  	[smem:$0x3FAE] =	sst s4  }
0xd: {  	[smem:$0x3FAF] =	sst s5  }
0xe: {  	[smem:$0x3FB0] =	sst s6  }
0xf: {  	[smem:$0x3FB1] =	sst s7  }
0x10: {  	[smem:$0x3FB2] =	sst s8  }
0x11: {  	[smem:$0x3FB3] =	sst s9;
	s0 =	simm.s32 @!p0 $0x0  }
0x12: {  	s1 =	sld [smem:$0x3F99];
	s0 =	simm.s32 @p0 $0x1  }
0x13: {  	[smem:$0x3FB4] =	sst s0;
	s0 =	simm.s32 @!p1 $0x0  }
0x14: {  	s2 =	sld [smem:$0x3F98];
	s0 =	simm.s32 @p1 $0x1  }
0x15: {  	[smem:$0x3FB5] =	sst s0;
	s0 =	simm.s32 @!p2 $0x0  }
0x16: {  	s3 =	sld [smem:$0x3FDB];
	s0 =	simm.s32 @p2 $0x1  }
0x17: {  	s4 =	simm.s32 $0x1BF5;
	[smem:$0x3FB7] =	sst s0  }
0x18: {  	s0 =	sld [smem:$0x3F9A];
	_ =	swait.ge [sflag:s4], $0x0  }
0x19: {  	s7 =	sld [smem:$0x3F9B]  }
0x1a: {  	s8 =	sadd.s32 $0xFFFFE003, lr  }
0x1b: {  	s9 =	sadd.s32 $0xFFFFFEF7, lr;
	s5 =	simm.s32 $0xFFFFFFFF;
	p2 =	slt.u32 s8, $0xFFFFF086  }
0x1c: {  	p1 =	slt.u32 s9, $0xF7A;
	s5 =	simm.s32 @!p2 $0x0  }
0x1d: {  	s5 =	simm.s32 @p1 $0x1;
	p0 =	seq.s32 s7, s2  }
0x1e: {  	s7 =	smul.u32 @!p0 $0xF7A, s2;
	p2 =	seq.s32 @!p0 s5, $0x0  }
0x1f: {  	s9 =	smul.u32 $0xF7A, s1;
	s8 =	simm.s32 @!p0 $0x1BF5;
	p2 =	por !p2, p0  }
0x20: {  	[sflag:s8] =	ssyncset.s32 @!p0 $0xFFFFF086;
	s6 =	sadd.s32 @!p0 s3, s7;
	s7 =	simm.s32 @!p0 $0x108  }
0x21: {  	s3 =	sadd.s32 s3, s9;
	s6 =	sadd.s32 @!p0 $0x88, s6;
	s7 =	simm.s32 @p2 $0x1082  }
0x22: {  	[simem:s7], [sflag:s8] =	dma.local @!p0 [hbm:s6], $0xF7A  }
0x23: {  	s9 =	sor.u32 $0xD0000000, s2;
	s6 =	simm.s32 $0x108;
	_ =	swait.ge @!p0 [sflag:s8], $0x0  }
0x24: {  	s3 =	sadd.s32 $0x88, s3;
	s6 =	simm.s32 @!p1 $0x1082;
	[sflag:s4] =	ssyncset.s32 $0xFFFFF086  }
0x25: {  	[simem:s6], [sflag:s4] =	dma.local [hbm:s3], $0xF7A  }
0x26: {  	[smem:$0x3F9B] =	sst s1;
	(tag) =	ssettag s2;
	_ =	strace s9  }
0x27: {  	s1 =	sld [smem:$0x3FAB]  }
0x28: {  	s2 =	sld [smem:$0x3FAC]  }
0x29: {  	s4 =	sld [smem:$0x3FAE]  }
0x2a: {  	p0 =	seq.s32 s5, $0x0;
	s5 =	sld [smem:$0x3FAF]  }
0x2b: {  	s6 =	sld [smem:$0x3FB0]  }
0x2c: {  	s7 =	sld [smem:$0x3FB1]  }
0x2d: {  	s3 =	simm.s32 $0x108;
	s8 =	sld [smem:$0x3FB2]  }
0x2e: {  	s3 =	simm.s32 @!p0 $0x1082;
	s9 =	sld [smem:$0x3FB3]  }
0x2f: {  	lr =	sadd.s32 s0, s3;
	s0 =	sld [smem:$0x3FAA]  }
0x30: {  	s3 =	sld [smem:$0x3FAD]  }
0x31: {  	[smem:$0x3FB6] =	sst s10  }
0x32: {  	s10 =	sld [smem:$0x3FB4];
	_ =	sdelay $0x3  }
0x33: {  	p0 =	seq.s32 s10, $0x1;
	s10 =	sld [smem:$0x3FB6];
	_ =	sdelay $0x3  }
0x34: {  	[smem:$0x3FB6] =	sst s10  }
0x35: {  	s10 =	sld [smem:$0x3FB5];
	_ =	sdelay $0x3  }
0x36: {  	p1 =	seq.s32 s10, $0x1;
	s10 =	sld [smem:$0x3FB6];
	_ =	sdelay $0x3  }
0x37: {  	[smem:$0x3FB6] =	sst s10  }
0x38: {  	s10 =	sld [smem:$0x3FB7]  }
0x39: {  	_ = 	snop;
	(pc) =	sbr.ind lr, $3  }
0x3a: {  	_ = 	snop  }
0x3b: {  	_ = 	snop  }
0x3c: {  	p2 =	seq.s32 s10, $0x1;
	s10 =	sld [smem:$0x3FB6]  }
0x3d: {  	_ =	shalt  }
0x3e: {  	_ =	shalt  }
0x3f: {  	_ =	shalt  }
0x40: {  	_ =	shalt  }
0x41: {  	_ =	shalt  }
0x42: {  	_ =	shalt  }
0x43: {  	_ =	shalt  }
0x44: {  	_ =	shalt  }
0x45: {  	_ =	shalt  }
0x46: {  	_ =	shalt  }
0x47: {  	_ =	shalt  }
0x48: {  	_ =	shalt  }
0x49: {  	_ =	shalt  }
0x4a: {  	_ =	shalt  }
0x4b: {  	_ =	shalt  }
0x4c: {  	_ =	shalt  }
0x4d: {  	_ =	shalt  }
0x4e: {  	_ =	shalt  }
0x4f: {  	_ =	shalt  }
0x50: {  	_ =	shalt  }
0x51: {  	_ =	shalt  }
0x52: {  	_ =	shalt  }
0x53: {  	_ =	shalt  }
0x54: {  	_ =	shalt  }
0x55: {  	_ =	shalt  }
0x56: {  	_ =	shalt  }
0x57: {  	_ =	shalt  }
0x58: {  	_ =	shalt  }
0x59: {  	_ =	shalt  }
0x5a: {  	_ =	shalt  }
0x5b: {  	_ =	shalt  }
0x5c: {  	_ =	shalt  }
0x5d: {  	_ =	shalt  }
0x5e: {  	_ =	shalt  }
0x5f: {  	_ =	shalt  }
0x60: {  	_ =	shalt  }
0x61: {  	_ =	shalt  }
0x62: {  	_ =	shalt  }
0x63: {  	_ =	shalt  }
0x64: {  	_ =	shalt  }
0x65: {  	_ =	shalt  }
0x66: {  	_ =	shalt  }
0x67: {  	_ =	shalt  }
0x68: {  	_ =	shalt  }
0x69: {  	_ =	shalt  }
0x6a: {  	_ =	shalt  }
0x6b: {  	_ =	shalt  }
0x6c: {  	_ =	shalt  }
0x6d: {  	_ =	shalt  }
0x6e: {  	_ =	shalt  }
0x6f: {  	_ =	shalt  }
0x70: {  	_ =	shalt  }
0x71: {  	_ =	shalt  }
0x72: {  	_ =	shalt  }
0x73: {  	_ =	shalt  }
0x74: {  	_ =	shalt  }
0x75: {  	_ =	shalt  }
0x76: {  	_ =	shalt  }
0x77: {  	_ =	shalt  }
0x78: {  	_ =	shalt  }
0x79: {  	_ =	shalt  }
0x7a: {  	_ =	shalt  }
0x7b: {  	_ =	shalt  }
0x7c: {  	_ =	shalt  }
0x7d: {  	_ =	shalt  }
0x7e: {  	_ =	shalt  }
0x7f: {  	_ =	shalt  }
0x80: {  	_ =	shalt  }
0x81: {  	_ =	shalt  }
0x82: {  	_ =	shalt  }
0x83: {  	_ =	shalt  }
0x84: {  	_ =	shalt  }
0x85: {  	_ =	shalt  }
0x86: {  	_ =	shalt  }
0x87: {  	_ =	shalt  }
.Lfunc_end0:
.L_simem_size_0:
called_computation.2_lowered:
.L_overlay_start_0:
0x88: {  	s2 =	sld [smem:$0x3FD9]  }
0x89: {  	s3 =	sld [smem:$0x3FFE];
	_ =	sdelay $0x1  }
0x8a: {  	s1 =	srdreg.scid  }
0x8b: {  	s0 =	sand.u32 $0x1, s1  }
0x8c: {  	s17 =	sshll.u32 s0, $0xA;
	s2 =	sadd.s32 s3, s2  }
0x8d: {  	s2 =	sadd.s32 s2, s17  }
0x8e: {  	[smem:$0x3FC2] =	sst s2  }
0x8f: {  	_ = 	snop  }
0x90: {  	s2 =	sld [smem:$0x3FD0];
	(tm) =	ssettm $0x1  }
0x91: {  	s18 =	sld [smem:$0x3FFB];
	_ =	sdelay $0x3  }
0x92: {  	_ =	strace s18  }
0x93: {  	s3 =	sld [smem:$0x3FFC];
	_ =	sdelay $0x3  }
0x94: {  	_ =	strace s3  }
0x95: {  	s3 =	sld [smem:$0x3FFD];
	_ =	sdelay $0x3  }
0x96: {  	_ =	strace s3  }
0x97: {  	_ =	strace $0x8FFFFFFF  }
0x98: {  	s19 =	sld [smem:$0x3FDB];
	_ =	sdelay $0x1  }
0x99: {  	s4 =	simm.s32 $_scs_section_size  }
0x9a: {  	s5 =	simm.s32 $_size__tile_overlayer_lowered;
	s6 =	simm.s32 $_tile_overlayer_lowered  }
0x9b: {  	s22 =	simm.s32 $0x1BFF;
	s21 =	sshll.u32 s6, $0x1;
	s3 =	sadd.s32 s4, s19  }
0x9c: {  	s7 =	simm.s32 $0x0;
	s20 =	sshll.u32 s5, $0x1;
	s5 =	sadd.s32 s21, s3  }
0x9d: {  	[timem:s7], [sflag:s22] =	dma.local [hbm:s5], s20  }
0x9e: {  	_ =	swait.ge [sflag:s22], s20  }
0x9f: {  	s4 =	ssub.s32 $0x0, s20;
	[sflag:s22] =	ssyncset.done $0x0  }
0xa0: {  	[sflag:s22] =	ssyncadd.s32 s4;
	_ =	sdelay $0x1  }
0xa1: {  	s23 =	simm.s32 $0x1B8B  }
0xa2: {  	_ =	swait.ge [sflag:s23], $0x1  }
0xa3: {  	[sflag:s23] =	ssyncset.done $0x0  }
0xa4: {  	s25 =	simm.s32 $0x1B8E;
	s24 =	sld [smem:$0x3FFE];
	[sflag:s23] =	ssyncadd.s32 $0xFFFFFFFF  }
0xa5: {  	s26 =	simm.s32 $execute0_lowered;
	[smem:$0x3FD2] =	sst s25  }
0xa6: {  	s5 =	sshll.u32 s26, $0x1;
	_ =	strace $0x8000004C;
	[dreg:$0x1] =	wrdreg $0xFFFFFFFF  }
0xa7: {  	s28 =	simm.s32 $_size_execute0_lowered;
	s3 =	sadd.s32 s3, s5;
	[dreg:$0x0] =	wrdreg $0x0  }
0xa8: {  	s5 =	sshll.u32 s28, $0x1;
	[dreg:$0x2] =	wrdreg s3  }
0xa9: {  	[dreg:$0x3] =	wrdreg s5  }
0xaa: {  	[dreg:$0x4] =	wrdreg $0xC0  }
0xab: {  	_ =	task [dreg:s7], $0x5FFFF  }
0xac: {  	[dreg:$0x1] =	wrdreg $0xFFFFFFFF  }
0xad: {  	[dreg:$0x0] =	wrdreg $0x60  }
0xae: {  	[dreg:$0x2] =	wrdreg s24  }
0xaf: {  	[dreg:$0x3] =	wrdreg s2  }
0xb0: {  	[dreg:$0x4] =	wrdreg $0x41000  }
0xb1: {  	[dreg:$0x5] =	wrdreg $0x9  }
0xb2: {  	_ =	task.clear_ibuf [dreg:s7], $0x6FFFF;
	_ =	strace $0x9000004C  }
0xb3: {  	s29 =	simm.s32 $0x9;
	_ =	strace $0x8000004E  }
0xb4: {  	_ =	swait.ge [sflag:s29], $0x1  }
0xb5: {  	[sflag:s29] =	ssyncadd.s32 $0xFFFFFFFF  }
0xb6: {  	_ =	strace $0x9000004E  }
0xb7: {  	_ =	sfence  }
0xb8: {  	s30 =	sld [smem:$0x0];
	_ =	sdelay $0x2  }
0xb9: {  	s31 =	sshll.u32 s1, $0xD;
	s1 =	sshrl.u32 s1, $0x2  }
0xba: {  	s3 =	sand.u32 $0x4000, s31;
	s1 =	sadd.s32 s1, s30  }
0xbb: {  	s0 =	sor.u32 s3, s0;
	s1 =	sshll.u32 s1, $0x11  }
0xbc: {  	s0 =	sor.u32 s1, s0  }
0xbd: {  	s0 =	sadd.s32 $0x8F2B, s0  }
0xbe: {  	[sflag:s0] =	ssyncadd.remote.s32 $0x1  }
0xbf: {  	_ =	sfence.sel $0xFFFF  }
0xc0: {  	[dreg:$0x0] =	wrdreg $0xFFFFFFFF;
	(pc) =	sbr.abs _section_cstart, $3  }
0xc1: {  	[dreg:$0x1] =	wrdreg $0xFFFFFFFF  }
0xc2: {  	_ =	task.clear_ibuf [dreg:s7], $0x2FFFF;
	_ =	strace $0x9FFFFFFF  }
0xc3: {  	(tm) =	ssettm $0x7FFFFFFF  }
tec
execute0_lowered:
.L_overlay_start_1:
0x0: {  	(tag) =	ssettag $0x1  }
0x1: {  	s6 =	rddreg [dreg:$0x0]  }
0x2: {  	s16 =	rddreg [dreg:$0x1]  }
0x3: {  	s2 =	rddreg [dreg:$0x2]  }
0x4: {  	s0 =	rddreg [dreg:$0x3];
	s3 =	simm.s32 $0x0;
	s1 =	stileid.u32  }
0x5: {  	s5 =	srdreg.scid;
	s23 =	simm.s32 $0x0;
	s17 =	smul.u32 $0x9E0, s1  }
0x6: {  	[smem:$0x7FF] =	sst s3;
	s4 =	sadd.s32 $0xC200, s6;
	s7 =	smul.u32 $0x50000, s1  }
0x7: {  	s14 =	sand.u32 $0x1, s5;
	s11 =	smul.u32 $0x14000, s1;
	s5 =	sadd.s32 $0x34200, s6  }
0x8: {  	s15 =	sadd.s32 $0x34A00, s6;
	_ =	strace $0x8000004D;
	s21 =	smul.u32 $0x140000, s14  }
0x9: {  	s30 =	ssub.s32 $0x2, s14;
	s31 =	smul.u32 $0x4F0, s14;
	s18 =	sadd.s32 s17, s6  }
0xa: {  	s8 =	sshrl.u32 s30, $0x1;
	s7 =	sshrl.u32 s7, $0x2;
	s12 =	sadd.s32 $0x4000, s11  }
0xb: {  	s13 =	sadd.s32 $0x8000, s11;
	s20 =	sadd.s32 $0xC000, s11;
	s22 =	sadd.s32 $0x10000, s11  }
0xc: {  	s17 =	sadd.s32 s17, s16;
	s19 =	ssub.s32 s30, s8;
	s6 =	sadd.s32 s7, s2  }
0xd: {  	s7 =	sadd.s32 s12, s2;
	s8 =	sadd.s32 s13, s2;
	s9 =	sadd.s32 s20, s2  }
0xe: {  	s10 =	sadd.s32 s22, s2;
	s11 =	sadd.s32 s11, s21;
	s12 =	sadd.s32 s21, s12  }
0xf: {  	s13 =	sadd.s32 s21, s13;
	s20 =	sadd.s32 s21, s20;
	s21 =	sadd.s32 s21, s22  }
0x10: {  	s17 =	sadd.s32 s31, s17;
	s18 =	sadd.s32 s31, s18;
	s22 =	simm.s32 $0x1  }
0x11: {  	s11 =	sshrl.u32 s11, $0x3;
	s12 =	sshrl.u32 s12, $0x3;
	s13 =	sshrl.u32 s13, $0x3  }
0x12: {  	s20 =	sshrl.u32 s20, $0x3;
	s21 =	sshrl.u32 s21, $0x3;
	s16 =	smax.u32 s19, $0x1  }
0x13: {  	s18 =	sadd.s32 $0x2400, s18;
	s19 =	simm.s32 $0x100;
	s11 =	sadd.s32 s15, s11  }
0x14: {  	s12 =	sadd.s32 s15, s12;
	s13 =	sadd.s32 s15, s13;
	s14 =	sadd.s32 s15, s20  }
0x15: {  	s15 =	sadd.s32 s15, s21;
	s20 =	simm.s32 $0x2;
	s21 =	simm.s32 $0x80  }
.LBB2_1:
0x16: {  	[tilespmem:s19], [sflag:$0x2] =	stream.linear.gather [hbm4b:s5+s3], $0x4000, $0x38;
	[tilespmem:$0x18100] =	vst v63  }
0x17: {  	_ =	swait.ge [sflag:s20], $0x4000  }
0x18: {  	[sflag:s20] =	ssyncset.done $0x0  }
0x19: {  	[sflag:s20] =	ssyncadd.s32 $0xFFFFC000  }
0x1a: {  	[spmem:s6] =	stream.linear.scatter [tilespmem:s19], [sflag:$0x2], $0x4000, $0x38;
	[tilespmem:$0x18100] =	vst v63  }
0x1b: {  	_ =	swait.ge [sflag:s20], $0x4000  }
0x1c: {  	[sflag:s20] =	ssyncset.done $0x0  }
0x1d: {  	[sflag:s20] =	ssyncadd.s32 $0xFFFFC000  }
0x1e: {  	[spmem:s7] =	stream.linear.scatter [tilespmem:s19], [sflag:$0x2], $0x4000, $0x38;
	[tilespmem:$0x18100] =	vst v63  }
0x1f: {  	_ =	swait.ge [sflag:s20], $0x4000  }
0x20: {  	[sflag:s20] =	ssyncset.done $0x0  }
0x21: {  	[sflag:s20] =	ssyncadd.s32 $0xFFFFC000  }
0x22: {  	[spmem:s8] =	stream.linear.scatter [tilespmem:s19], [sflag:$0x2], $0x4000, $0x38;
	[tilespmem:$0x18100] =	vst v63  }
0x23: {  	_ =	swait.ge [sflag:s20], $0x4000  }
0x24: {  	[sflag:s20] =	ssyncset.done $0x0  }
0x25: {  	[sflag:s20] =	ssyncadd.s32 $0xFFFFC000  }
0x26: {  	[spmem:s9] =	stream.linear.scatter [tilespmem:s19], [sflag:$0x2], $0x4000, $0x38;
	[tilespmem:$0x18100] =	vst v63  }
0x27: {  	_ =	swait.ge [sflag:s20], $0x4000  }
0x28: {  	[sflag:s20] =	ssyncset.done $0x0  }
0x29: {  	[sflag:s20] =	ssyncadd.s32 $0xFFFFC000  }
0x2a: {  	[spmem:s10] =	stream.linear.scatter [tilespmem:s19], [sflag:$0x2], $0x4000, $0x38;
	[tilespmem:$0x18100] =	vst v63  }
0x2b: {  	_ =	swait.ge [sflag:s20], $0x4000  }
0x2c: {  	[sflag:s20] =	ssyncset.done $0x0  }
0x2d: {  	[sflag:s20] =	ssyncadd.s32 $0xFFFFC000  }
0x2e: {  	s24 =	sadd.s32 $0x0, s18;
	[bflag:$0x0] =	sbarrier.arrive $0xFFFF  }
0x2f: {  	[tilespmem:s3], [sflag:$0x2] =	stream.linear.gather [hbm4b:s24+s3], $0x80, $0x38;
	[tilespmem:$0x18100] =	vst v63  }
0x30: {  	_ =	swait.ge [sflag:s20], $0x80  }
0x31: {  	[sflag:s20] =	ssyncset.done $0x0  }
0x32: {  	[sflag:s20] =	ssyncadd.s32 $0xFFFFFF80  }
0x33: {  	[tilespmem:s19], [sflag:$0x1] =	stream.indirect.gather [hbm4b:s4+s21], $0x80, s3, s21, $0xb8;
	[tilespmem:$0x18100] =	vst v63  }
0x34: {  	_ =	swait.ge [sflag:s22], $0x4000  }
0x35: {  	[sflag:s22] =	ssyncset.done $0x0  }
0x36: {  	s31 =	sadd.s32 $0x0, s17;
	[sflag:s22] =	ssyncadd.s32 $0xFFFFC000  }
0x37: {  	[tilespmem:s21], [sflag:$0x2] =	stream.linear.gather [hbm4b:s31+s3], $0x80, $0x38;
	[tilespmem:$0x18100] =	vst v63  }
0x38: {  	_ =	swait.ge [sflag:s20], $0x80  }
0x39: {  	[sflag:s20] =	ssyncset.done $0x0  }
0x3a: {  	[sflag:s20] =	ssyncadd.s32 $0xFFFFFF80  }
0x3b: {  	[spmem:s2] =	stream.indirect.scatter.add.f32 [tilespmem:s19], [sflag:$0x2], $0x80, s21, s21, $0xb8;
	[tilespmem:$0x18100] =	vst v63  }
0x3c: {  	_ =	swait.ge [sflag:s20], $0x4000  }
0x3d: {  	s25 =	simm.s32 $0x20;
	s24 =	simm.s32 $0x10;
	[sflag:s20] =	ssyncset.done $0x0  }
.LBB2_2:
0x3e: {  	s26 =	sadd.s32 s24, s18  }
0x3f: {  	[sflag:s20] =	ssyncadd.s32 $0xFFFFC000;
	s28 =	smov.u32 s25;
	s29 =	sadd.s32 $0x10, s25  }
0x40: {  	[tilespmem:s3], [sflag:$0x2] =	stream.linear.gather [hbm4b:s26+s3], $0x80, $0x38;
	[tilespmem:$0x18100] =	vst v63  }
0x41: {  	p0 =	sne.s32 s25, $0x4E0;
	_ =	swait.ge [sflag:s20], $0x80  }
0x42: {  	[sflag:s20] =	ssyncset.done $0x0  }
0x43: {  	[sflag:s20] =	ssyncadd.s32 $0xFFFFFF80  }
0x44: {  	[tilespmem:s19], [sflag:$0x1] =	stream.indirect.gather [hbm4b:s4+s21], $0x80, s3, s21, $0xb8;
	[tilespmem:$0x18100] =	vst v63  }
0x45: {  	_ =	swait.ge [sflag:s22], $0x4000  }
0x46: {  	[sflag:s22] =	ssyncset.done $0x0  }
0x47: {  	s25 =	sadd.s32 s24, s17;
	s24 =	smov.u32 s28;
	[sflag:s22] =	ssyncadd.s32 $0xFFFFC000  }
0x48: {  	[tilespmem:s21], [sflag:$0x2] =	stream.linear.gather [hbm4b:s25+s3], $0x80, $0x38;
	[tilespmem:$0x18100] =	vst v63  }
0x49: {  	_ =	swait.ge [sflag:s20], $0x80  }
.Ltmp0:
0x4a: {  	[sflag:s20] =	ssyncset.done $0x0;
	(pc) =	sbr.rel @p0 .LBB2_2-.Ltmp0, $4  }
0x4b: {  	[sflag:s20] =	ssyncadd.s32 $0xFFFFFF80  }
0x4c: {  	[spmem:s2] =	stream.indirect.scatter.add.f32 [tilespmem:s19], [sflag:$0x2], $0x80, s21, s21, $0xb8;
	[tilespmem:$0x18100] =	vst v63  }
0x4d: {  	_ =	swait.ge [sflag:s20], $0x4000  }
0x4e: {  	s25 =	smov.u32 s29;
	[sflag:s20] =	ssyncset.done $0x0  }
0x4f: {  	s25 =	sadd.s32 s24, s18;
	[sflag:s20] =	ssyncadd.s32 $0xFFFFC000  }
0x50: {  	[tilespmem:s3], [sflag:$0x2] =	stream.linear.gather [hbm4b:s25+s3], $0x80, $0x38;
	[tilespmem:$0x18100] =	vst v63  }
0x51: {  	_ =	swait.ge [sflag:s20], $0x80  }
0x52: {  	[sflag:s20] =	ssyncset.done $0x0  }
0x53: {  	[sflag:s20] =	ssyncadd.s32 $0xFFFFFF80  }
0x54: {  	[tilespmem:s19], [sflag:$0x1] =	stream.indirect.gather [hbm4b:s4+s21], $0x80, s3, s21, $0xb8;
	[tilespmem:$0x18100] =	vst v63  }
0x55: {  	_ =	swait.ge [sflag:s22], $0x4000  }
0x56: {  	[sflag:s22] =	ssyncset.done $0x0  }
0x57: {  	s31 =	sadd.s32 s24, s17;
	[sflag:s22] =	ssyncadd.s32 $0xFFFFC000  }
0x58: {  	[tilespmem:s21], [sflag:$0x2] =	stream.linear.gather [hbm4b:s31+s3], $0x80, $0x38;
	[tilespmem:$0x18100] =	vst v63  }
0x59: {  	_ =	swait.ge [sflag:s20], $0x80  }
0x5a: {  	[sflag:s20] =	ssyncset.done $0x0  }
0x5b: {  	[sflag:s20] =	ssyncadd.s32 $0xFFFFFF80  }
0x5c: {  	[spmem:s2] =	stream.indirect.scatter.add.f32 [tilespmem:s19], [sflag:$0x2], $0x80, s21, s21, $0xb8;
	[tilespmem:$0x18100] =	vst v63  }
0x5d: {  	_ =	swait.ge [sflag:s20], $0x4000  }
0x5e: {  	[sflag:s20] =	ssyncset.done $0x0  }
0x5f: {  	[sflag:s20] =	ssyncadd.s32 $0xFFFFC000  }
0x60: {  	[bflag:$0x0] =	sbarrier.arrive $0xFFFF  }
0x61: {  	[tilespmem:s19], [sflag:$0x2] =	stream.linear.gather [spmem:s6], $0x4000, $0x38;
	[tilespmem:$0x18100] =	vst v63  }
0x62: {  	_ =	swait.ge [sflag:s20], $0x4000  }
0x63: {  	[sflag:s20] =	ssyncset.done $0x0  }
0x64: {  	[sflag:s20] =	ssyncadd.s32 $0xFFFFC000  }
0x65: {  	[hbm4b:s11+s3] =	stream.linear.scatter [tilespmem:s19], [sflag:$0x2], $0x4000, $0x38;
	[tilespmem:$0x18100] =	vst v63  }
0x66: {  	_ =	swait.ge [sflag:s20], $0x4000  }
0x67: {  	[sflag:s20] =	ssyncset.done $0x0  }
0x68: {  	[sflag:s20] =	ssyncadd.s32 $0xFFFFC000  }
0x69: {  	[tilespmem:s19], [sflag:$0x2] =	stream.linear.gather [spmem:s7], $0x4000, $0x38;
	[tilespmem:$0x18100] =	vst v63  }
0x6a: {  	_ =	swait.ge [sflag:s20], $0x4000  }
0x6b: {  	[sflag:s20] =	ssyncset.done $0x0  }
0x6c: {  	[sflag:s20] =	ssyncadd.s32 $0xFFFFC000  }
0x6d: {  	[hbm4b:s12+s3] =	stream.linear.scatter [tilespmem:s19], [sflag:$0x2], $0x4000, $0x38;
	[tilespmem:$0x18100] =	vst v63  }
0x6e: {  	_ =	swait.ge [sflag:s20], $0x4000  }
0x6f: {  	[sflag:s20] =	ssyncset.done $0x0  }
0x70: {  	[sflag:s20] =	ssyncadd.s32 $0xFFFFC000  }
0x71: {  	[tilespmem:s19], [sflag:$0x2] =	stream.linear.gather [spmem:s8], $0x4000, $0x38;
	[tilespmem:$0x18100] =	vst v63  }
0x72: {  	_ =	swait.ge [sflag:s20], $0x4000  }
0x73: {  	[sflag:s20] =	ssyncset.done $0x0  }
0x74: {  	[sflag:s20] =	ssyncadd.s32 $0xFFFFC000  }
0x75: {  	[hbm4b:s13+s3] =	stream.linear.scatter [tilespmem:s19], [sflag:$0x2], $0x4000, $0x38;
	[tilespmem:$0x18100] =	vst v63  }
0x76: {  	_ =	swait.ge [sflag:s20], $0x4000  }
0x77: {  	[sflag:s20] =	ssyncset.done $0x0  }
0x78: {  	[sflag:s20] =	ssyncadd.s32 $0xFFFFC000  }
0x79: {  	[tilespmem:s19], [sflag:$0x2] =	stream.linear.gather [spmem:s9], $0x4000, $0x38;
	[tilespmem:$0x18100] =	vst v63  }
0x7a: {  	_ =	swait.ge [sflag:s20], $0x4000  }
0x7b: {  	[sflag:s20] =	ssyncset.done $0x0  }
0x7c: {  	[sflag:s20] =	ssyncadd.s32 $0xFFFFC000  }
0x7d: {  	[hbm4b:s14+s3] =	stream.linear.scatter [tilespmem:s19], [sflag:$0x2], $0x4000, $0x38;
	[tilespmem:$0x18100] =	vst v63  }
0x7e: {  	_ =	swait.ge [sflag:s20], $0x4000  }
0x7f: {  	[sflag:s20] =	ssyncset.done $0x0  }
0x80: {  	[sflag:s20] =	ssyncadd.s32 $0xFFFFC000  }
0x81: {  	[tilespmem:s19], [sflag:$0x2] =	stream.linear.gather [spmem:s10], $0x4000, $0x38;
	[tilespmem:$0x18100] =	vst v63  }
0x82: {  	s23 =	sadd.s32 $0x1, s23;
	_ =	swait.ge [sflag:s20], $0x4000  }
0x83: {  	p0 =	sne.s32 s23, s16;
	[sflag:s20] =	ssyncset.done $0x0  }
.Ltmp1:
0x84: {  	[sflag:s20] =	ssyncadd.s32 $0xFFFFC000;
	(pc) =	sbr.rel @p0 .LBB2_1-.Ltmp1, $4  }
0x85: {  	[hbm4b:s15+s3] =	stream.linear.scatter [tilespmem:s19], [sflag:$0x2], $0x4000, $0x38;
	[tilespmem:$0x18100] =	vst v63  }
0x86: {  	_ =	swait.ge [sflag:s20], $0x4000  }
0x87: {  	[sflag:s20] =	ssyncset.done $0x0  }
0x88: {  	[sflag:s20] =	ssyncadd.s32 $0xFFFFC000  }
0x89: {  	_ =	sfence.sel $0x180000  }
0x8a: {  	[bflag:$0x0] =	sbarrier.arrive $0xFFFF  }
0x8b: {  	p0 =	sne.s32 s1, $0x0;
	_ =	strace $0x9000004D  }
0x8c: {  	s0 =	sadd.s32 @!p0 $0x100000, s0;
	[bflag:$0x2] =	sbarrier.arrive $0xFFFF  }
0x8d: {  	[sflag:s0] =	ssyncadd.tile.s32 @!p0 $0x1;
	_ =	shalt  }
.Lfunc_end2:
_tile_overlayer_lowered:
.L_overlay_start_2:
0x8e: {  	(tag) =	ssettag $0x2  }
0x8f: {  	s0 =	rddreg [dreg:$0x0];
	s2 =	stileid.u32  }
0x90: {  	s1 =	rddreg [dreg:$0x1];
	p0 =	sne.s32 s2, $0x0  }
0x91: {  	s3 =	rddreg [dreg:$0x2];
	[bflag:$0x3] =	sbarrier.arrive $0xFFFF;
	s2 =	simm.s32 @!p0 $0x1C02  }
0x92: {  	[timem:s3], [sflag:s2] =	dma.local @!p0 [hbm:s0], s1  }
0x93: {  	s0 =	simm.s32 @!p0 $0x2  }
0x94: {  	_ =	swait.ge @!p0 [sflag:s0], s1  }
0x95: {  	s1 =	ssub.s32 @!p0 $0x0, s1;
	[sflag:s0] =	ssyncset.done @!p0 $0x0  }
0x96: {  	[sflag:s0] =	ssyncadd.s32 @!p0 s1  }
0x97: {  	[bflag:$0x3] =	sbarrier.arrive $0xFFFF  }
0x98: {  	_ =	shalt  }

// kernel: kernel.8.cloned.1.call-start
scs
__scs_entry_jumppad:
0x0: {  	(pc) =	sbr.rel $0x88, $3  }
0x1: {  	(tag) =	ssettag $0x0;
	lr =	simm.s32 $0x1  }
0x2: {  	[smem:$0x3F9B] =	sst lr;
	_ =	strace $0xD0000000  }
0x3: {  	_ = 	snop  }
0x4: {  	_ = 	snop  }
0x5: {  	_ = 	snop  }
0x6: {  	_ = 	snop  }
0x7: {  	_ = 	snop  }
__scs_overlays_trampoline_lowered:
0x8: {  	[smem:$0x3FAA] =	sst s0  }
0x9: {  	[smem:$0x3FAB] =	sst s1  }
0xa: {  	[smem:$0x3FAC] =	sst s2  }
0xb: {  	[smem:$0x3FAD] =	sst s3  }
0xc: {  	[smem:$0x3FAE] =	sst s4  }
0xd: {  	[smem:$0x3FAF] =	sst s5  }
0xe: {  	[smem:$0x3FB0] =	sst s6  }
0xf: {  	[smem:$0x3FB1] =	sst s7  }
0x10: {  	[smem:$0x3FB2] =	sst s8  }
0x11: {  	[smem:$0x3FB3] =	sst s9;
	s0 =	simm.s32 @!p0 $0x0  }
0x12: {  	s1 =	sld [smem:$0x3F99];
	s0 =	simm.s32 @p0 $0x1  }
0x13: {  	[smem:$0x3FB4] =	sst s0;
	s0 =	simm.s32 @!p1 $0x0  }
0x14: {  	s2 =	sld [smem:$0x3F98];
	s0 =	simm.s32 @p1 $0x1  }
0x15: {  	[smem:$0x3FB5] =	sst s0;
	s0 =	simm.s32 @!p2 $0x0  }
0x16: {  	s3 =	sld [smem:$0x3FDB];
	s0 =	simm.s32 @p2 $0x1  }
0x17: {  	s4 =	simm.s32 $0x1BF5;
	[smem:$0x3FB7] =	sst s0  }
0x18: {  	s0 =	sld [smem:$0x3F9A];
	_ =	swait.ge [sflag:s4], $0x0  }
0x19: {  	s7 =	sld [smem:$0x3F9B]  }
0x1a: {  	s8 =	sadd.s32 $0xFFFFE003, lr  }
0x1b: {  	s9 =	sadd.s32 $0xFFFFFEF7, lr;
	s5 =	simm.s32 $0xFFFFFFFF;
	p2 =	slt.u32 s8, $0xFFFFF086  }
0x1c: {  	p1 =	slt.u32 s9, $0xF7A;
	s5 =	simm.s32 @!p2 $0x0  }
0x1d: {  	s5 =	simm.s32 @p1 $0x1;
	p0 =	seq.s32 s7, s2  }
0x1e: {  	s7 =	smul.u32 @!p0 $0xF7A, s2;
	p2 =	seq.s32 @!p0 s5, $0x0  }
0x1f: {  	s9 =	smul.u32 $0xF7A, s1;
	s8 =	simm.s32 @!p0 $0x1BF5;
	p2 =	por !p2, p0  }
0x20: {  	[sflag:s8] =	ssyncset.s32 @!p0 $0xFFFFF086;
	s6 =	sadd.s32 @!p0 s3, s7;
	s7 =	simm.s32 @!p0 $0x108  }
0x21: {  	s3 =	sadd.s32 s3, s9;
	s6 =	sadd.s32 @!p0 $0x88, s6;
	s7 =	simm.s32 @p2 $0x1082  }
0x22: {  	[simem:s7], [sflag:s8] =	dma.local @!p0 [hbm:s6], $0xF7A  }
0x23: {  	s9 =	sor.u32 $0xD0000000, s2;
	s6 =	simm.s32 $0x108;
	_ =	swait.ge @!p0 [sflag:s8], $0x0  }
0x24: {  	s3 =	sadd.s32 $0x88, s3;
	s6 =	simm.s32 @!p1 $0x1082;
	[sflag:s4] =	ssyncset.s32 $0xFFFFF086  }
0x25: {  	[simem:s6], [sflag:s4] =	dma.local [hbm:s3], $0xF7A  }
0x26: {  	[smem:$0x3F9B] =	sst s1;
	(tag) =	ssettag s2;
	_ =	strace s9  }
0x27: {  	s1 =	sld [smem:$0x3FAB]  }
0x28: {  	s2 =	sld [smem:$0x3FAC]  }
0x29: {  	s4 =	sld [smem:$0x3FAE]  }
0x2a: {  	p0 =	seq.s32 s5, $0x0;
	s5 =	sld [smem:$0x3FAF]  }
0x2b: {  	s6 =	sld [smem:$0x3FB0]  }
0x2c: {  	s7 =	sld [smem:$0x3FB1]  }
0x2d: {  	s3 =	simm.s32 $0x108;
	s8 =	sld [smem:$0x3FB2]  }
0x2e: {  	s3 =	simm.s32 @!p0 $0x1082;
	s9 =	sld [smem:$0x3FB3]  }
0x2f: {  	lr =	sadd.s32 s0, s3;
	s0 =	sld [smem:$0x3FAA]  }
0x30: {  	s3 =	sld [smem:$0x3FAD]  }
0x31: {  	[smem:$0x3FB6] =	sst s10  }
0x32: {  	s10 =	sld [smem:$0x3FB4];
	_ =	sdelay $0x3  }
0x33: {  	p0 =	seq.s32 s10, $0x1;
	s10 =	sld [smem:$0x3FB6];
	_ =	sdelay $0x3  }
0x34: {  	[smem:$0x3FB6] =	sst s10  }
0x35: {  	s10 =	sld [smem:$0x3FB5];
	_ =	sdelay $0x3  }
0x36: {  	p1 =	seq.s32 s10, $0x1;
	s10 =	sld [smem:$0x3FB6];
	_ =	sdelay $0x3  }
0x37: {  	[smem:$0x3FB6] =	sst s10  }
0x38: {  	s10 =	sld [smem:$0x3FB7]  }
0x39: {  	_ = 	snop;
	(pc) =	sbr.ind lr, $3  }
0x3a: {  	_ = 	snop  }
0x3b: {  	_ = 	snop  }
0x3c: {  	p2 =	seq.s32 s10, $0x1;
	s10 =	sld [smem:$0x3FB6]  }
0x3d: {  	_ =	shalt  }
0x3e: {  	_ =	shalt  }
0x3f: {  	_ =	shalt  }
0x40: {  	_ =	shalt  }
0x41: {  	_ =	shalt  }
0x42: {  	_ =	shalt  }
0x43: {  	_ =	shalt  }
0x44: {  	_ =	shalt  }
0x45: {  	_ =	shalt  }
0x46: {  	_ =	shalt  }
0x47: {  	_ =	shalt  }
0x48: {  	_ =	shalt  }
0x49: {  	_ =	shalt  }
0x4a: {  	_ =	shalt  }
0x4b: {  	_ =	shalt  }
0x4c: {  	_ =	shalt  }
0x4d: {  	_ =	shalt  }
0x4e: {  	_ =	shalt  }
0x4f: {  	_ =	shalt  }
0x50: {  	_ =	shalt  }
0x51: {  	_ =	shalt  }
0x52: {  	_ =	shalt  }
0x53: {  	_ =	shalt  }
0x54: {  	_ =	shalt  }
0x55: {  	_ =	shalt  }
0x56: {  	_ =	shalt  }
0x57: {  	_ =	shalt  }
0x58: {  	_ =	shalt  }
0x59: {  	_ =	shalt  }
0x5a: {  	_ =	shalt  }
0x5b: {  	_ =	shalt  }
0x5c: {  	_ =	shalt  }
0x5d: {  	_ =	shalt  }
0x5e: {  	_ =	shalt  }
0x5f: {  	_ =	shalt  }
0x60: {  	_ =	shalt  }
0x61: {  	_ =	shalt  }
0x62: {  	_ =	shalt  }
0x63: {  	_ =	shalt  }
0x64: {  	_ =	shalt  }
0x65: {  	_ =	shalt  }
0x66: {  	_ =	shalt  }
0x67: {  	_ =	shalt  }
0x68: {  	_ =	shalt  }
0x69: {  	_ =	shalt  }
0x6a: {  	_ =	shalt  }
0x6b: {  	_ =	shalt  }
0x6c: {  	_ =	shalt  }
0x6d: {  	_ =	shalt  }
0x6e: {  	_ =	shalt  }
0x6f: {  	_ =	shalt  }
0x70: {  	_ =	shalt  }
0x71: {  	_ =	shalt  }
0x72: {  	_ =	shalt  }
0x73: {  	_ =	shalt  }
0x74: {  	_ =	shalt  }
0x75: {  	_ =	shalt  }
0x76: {  	_ =	shalt  }
0x77: {  	_ =	shalt  }
0x78: {  	_ =	shalt  }
0x79: {  	_ =	shalt  }
0x7a: {  	_ =	shalt  }
0x7b: {  	_ =	shalt  }
0x7c: {  	_ =	shalt  }
0x7d: {  	_ =	shalt  }
0x7e: {  	_ =	shalt  }
0x7f: {  	_ =	shalt  }
0x80: {  	_ =	shalt  }
0x81: {  	_ =	shalt  }
0x82: {  	_ =	shalt  }
0x83: {  	_ =	shalt  }
0x84: {  	_ =	shalt  }
0x85: {  	_ =	shalt  }
0x86: {  	_ =	shalt  }
0x87: {  	_ =	shalt  }
.Lfunc_end0:
.L_simem_size_0:
called_computation_lowered:
.L_overlay_start_0:
0x88: {  	s2 =	sld [smem:$0x3FD9]  }
0x89: {  	s3 =	sld [smem:$0x3FFE];
	_ =	sdelay $0x1  }
0x8a: {  	s1 =	srdreg.scid  }
0x8b: {  	s0 =	sand.u32 $0x1, s1  }
0x8c: {  	s17 =	sshll.u32 s0, $0xA;
	s2 =	sadd.s32 s3, s2  }
0x8d: {  	s2 =	sadd.s32 s2, s17  }
0x8e: {  	[smem:$0x3FC2] =	sst s2  }
0x8f: {  	_ = 	snop  }
0x90: {  	s2 =	sld [smem:$0x3FD0];
	(tm) =	ssettm $0x1  }
0x91: {  	s18 =	sld [smem:$0x3FFB];
	_ =	sdelay $0x3  }
0x92: {  	_ =	strace s18  }
0x93: {  	s3 =	sld [smem:$0x3FFC];
	_ =	sdelay $0x3  }
0x94: {  	_ =	strace s3  }
0x95: {  	s3 =	sld [smem:$0x3FFD];
	_ =	sdelay $0x3  }
0x96: {  	_ =	strace s3  }
0x97: {  	_ =	strace $0x8FFFFFFF  }
0x98: {  	s19 =	sld [smem:$0x3FDB];
	_ =	sdelay $0x1  }
0x99: {  	s4 =	simm.s32 $_scs_section_size  }
0x9a: {  	s5 =	simm.s32 $_size__tile_overlayer_lowered;
	s6 =	simm.s32 $_tile_overlayer_lowered  }
0x9b: {  	s22 =	simm.s32 $0x1BFF;
	s21 =	sshll.u32 s6, $0x1;
	s3 =	sadd.s32 s4, s19  }
0x9c: {  	s7 =	simm.s32 $0x0;
	s20 =	sshll.u32 s5, $0x1;
	s5 =	sadd.s32 s21, s3  }
0x9d: {  	[timem:s7], [sflag:s22] =	dma.local [hbm:s5], s20  }
0x9e: {  	_ =	swait.ge [sflag:s22], s20  }
0x9f: {  	s4 =	ssub.s32 $0x0, s20;
	[sflag:s22] =	ssyncset.done $0x0  }
0xa0: {  	[sflag:s22] =	ssyncadd.s32 s4;
	_ =	sdelay $0x1  }
0xa1: {  	s23 =	simm.s32 $0x1B8B  }
0xa2: {  	_ =	swait.ge [sflag:s23], $0x1  }
0xa3: {  	[sflag:s23] =	ssyncset.done $0x0  }
0xa4: {  	s25 =	simm.s32 $0x1B8E;
	s24 =	sld [smem:$0x3FFE];
	[sflag:s23] =	ssyncadd.s32 $0xFFFFFFFF  }
0xa5: {  	s26 =	simm.s32 $execute0_lowered;
	[smem:$0x3FD2] =	sst s25  }
0xa6: {  	s5 =	sshll.u32 s26, $0x1;
	_ =	strace $0x80000046;
	[dreg:$0x1] =	wrdreg $0xFFFFFFFF  }
0xa7: {  	s28 =	simm.s32 $_size_execute0_lowered;
	s3 =	sadd.s32 s3, s5;
	[dreg:$0x0] =	wrdreg $0x0  }
0xa8: {  	s5 =	sshll.u32 s28, $0x1;
	[dreg:$0x2] =	wrdreg s3  }
0xa9: {  	[dreg:$0x3] =	wrdreg s5  }
0xaa: {  	[dreg:$0x4] =	wrdreg $0xC0  }
0xab: {  	_ =	task [dreg:s7], $0x5FFFF  }
0xac: {  	[dreg:$0x1] =	wrdreg $0xFFFFFFFF  }
0xad: {  	[dreg:$0x0] =	wrdreg $0x60  }
0xae: {  	[dreg:$0x2] =	wrdreg s24  }
0xaf: {  	[dreg:$0x3] =	wrdreg s2  }
0xb0: {  	[dreg:$0x4] =	wrdreg $0x3800  }
0xb1: {  	[dreg:$0x5] =	wrdreg $0x6000  }
0xb2: {  	[dreg:$0x6] =	wrdreg $0x9  }
0xb3: {  	_ =	task.clear_ibuf [dreg:s7], $0x7FFFF;
	_ =	strace $0x90000046  }
0xb4: {  	s29 =	simm.s32 $0x9;
	_ =	strace $0x80000048  }
0xb5: {  	_ =	swait.ge [sflag:s29], $0x1  }
0xb6: {  	[sflag:s29] =	ssyncadd.s32 $0xFFFFFFFF  }
0xb7: {  	_ =	strace $0x90000048  }
0xb8: {  	_ =	sfence  }
0xb9: {  	s30 =	sld [smem:$0x0];
	_ =	sdelay $0x2  }
0xba: {  	s31 =	sshll.u32 s1, $0xD;
	s1 =	sshrl.u32 s1, $0x2  }
0xbb: {  	s3 =	sand.u32 $0x4000, s31;
	s1 =	sadd.s32 s1, s30  }
0xbc: {  	s0 =	sor.u32 s3, s0;
	s1 =	sshll.u32 s1, $0x11  }
0xbd: {  	s0 =	sor.u32 s1, s0  }
0xbe: {  	s0 =	sadd.s32 $0x8F2B, s0  }
0xbf: {  	[sflag:s0] =	ssyncadd.remote.s32 $0x1  }
0xc0: {  	_ =	sfence.sel $0xFFFF  }
0xc1: {  	[dreg:$0x0] =	wrdreg $0xFFFFFFFF;
	(pc) =	sbr.abs _section_cstart, $3  }
0xc2: {  	[dreg:$0x1] =	wrdreg $0xFFFFFFFF  }
0xc3: {  	_ =	task.clear_ibuf [dreg:s7], $0x2FFFF;
	_ =	strace $0x9FFFFFFF  }
0xc4: {  	(tm) =	ssettm $0x7FFFFFFF  }
0xc5: {  	_ =	shalt  }
tec
execute0_lowered:
.L_overlay_start_1:
0x0: {  	(tag) =	ssettag $0x1  }
0x1: {  	s7 =	rddreg [dreg:$0x0]  }
0x2: {  	s12 =	rddreg [dreg:$0x1]  }
0x3: {  	s2 =	rddreg [dreg:$0x2]  }
0x4: {  	s0 =	stileid.u32;
	s1 =	srdreg.scid  }
0x5: {  	s3 =	rddreg [dreg:$0x3];
	s4 =	simm.s32 $0x0;
	s13 =	smul.u32 $0x9E0, s0  }
0x6: {  	s8 =	sand.u32 $0x1, s1;
	s1 =	rddreg [dreg:$0x4];
	s9 =	smul.u32 $0x500, s0  }
0x7: {  	[smem:$0x7FF] =	sst s4;
	s5 =	sadd.s32 $0xC200, s7;
	s11 =	smul.u32 $0x280, s0  }
0x8: {  	s6 =	smul.u32 $0x5000, s8;
	_ =	strace $0x80000047;
	s10 =	ssub.s32 $0x2, s8  }
0x9: {  	s17 =	smul.u32 $0x4F0, s8;
	s14 =	sadd.s32 s13, s7;
	s30 =	sshrl.u32 s10, $0x1  }
0xa: {  	s8 =	sadd.s32 s11, s3;
	s12 =	sadd.s32 s13, s12;
	s6 =	sadd.s32 s9, s6  }
0xb: {  	s16 =	ssub.s32 s10, s30;
	s31 =	sadd.s32 s17, s14;
	s12 =	sadd.s32 s17, s12  }
0xc: {  	s14 =	simm.s32 $0x80;
	s17 =	simm.s32 $0x0;
	s9 =	sshrl.u32 s6, $0x3  }
0xd: {  	s6 =	sadd.s32 $0xC400, s7;
	s13 =	sadd.s32 $0x2400, s31;
	s15 =	sadd.s32 s9, s7  }
0xe: {  	s7 =	sadd.s32 s11, s2;
	s11 =	smax.u32 s16, $0x1;
	s16 =	simm.s32 $0x100  }
0xf: {  	s9 =	sadd.s32 $0xC600, s15;
	s10 =	sadd.s32 $0xC610, s15;
	s15 =	simm.s32 $0x1  }
.LBB2_1:
0x10: {  	[tilespmem:s14], [sflag:$0x1] =	stream.linear.gather [hbm4b:s5+s4], $0x80, $0x38;
	[tilespmem:$0x880] =	vst v63  }
0x11: {  	_ =	swait.ge [sflag:s15], $0x80  }
0x12: {  	[sflag:s15] =	ssyncset.done $0x0  }
0x13: {  	[sflag:s15] =	ssyncadd.s32 $0xFFFFFF80  }
0x14: {  	[tilespmem:s16], [sflag:$0x1] =	stream.linear.gather [hbm4b:s6+s4], $0x280, $0x38;
	[tilespmem:$0x880] =	vst v63  }
0x15: {  	_ =	swait.ge [sflag:s15], $0x280  }
0x16: {  	[sflag:s15] =	ssyncset.done $0x0  }
0x17: {  	[sflag:s15] =	ssyncadd.s32 $0xFFFFFD80  }
0x18: {  	[spmem:s7] =	stream.linear.scatter [tilespmem:s16], [sflag:$0x1], $0x280, $0x38;
	[tilespmem:$0x880] =	vst v63  }
0x19: {  	_ =	swait.ge [sflag:s15], $0x280  }
0x1a: {  	[sflag:s15] =	ssyncset.done $0x0  }
0x1b: {  	[sflag:s15] =	ssyncadd.s32 $0xFFFFFD80  }
0x1c: {  	[spmem:s8] =	stream.linear.scatter [tilespmem:s16], [sflag:$0x1], $0x280, $0x38;
	[tilespmem:$0x880] =	vst v63  }
0x1d: {  	_ =	swait.ge [sflag:s15], $0x280  }
0x1e: {  	[sflag:s15] =	ssyncset.done $0x0  }
0x1f: {  	[sflag:s15] =	ssyncadd.s32 $0xFFFFFD80  }
0x20: {  	s18 =	sadd.s32 $0x0, s13;
	[bflag:$0x0] =	sbarrier.arrive $0xFFFF  }
0x21: {  	[tilespmem:s4], [sflag:$0x1] =	stream.linear.gather [hbm4b:s18+s4], $0x80, $0x38;
	[tilespmem:$0x880] =	vst v63  }
0x22: {  	_ =	swait.ge [sflag:s15], $0x80  }
0x23: {  	[sflag:s15] =	ssyncset.done $0x0  }
0x24: {  	[sflag:s15] =	ssyncadd.s32 $0xFFFFFF80  }
0x25: {  	[spmem:s2] =	stream.indirect.scatter.add.f32 [tilespmem:s14], [sflag:$0x1], $0x1, s4, s14, $0xb8;
	[tilespmem:$0x880] =	vst v63  }
0x26: {  	_ =	swait.ge [sflag:s15], $0x80  }
0x27: {  	[sflag:s15] =	ssyncset.done $0x0  }
0x28: {  	s31 =	sadd.s32 $0x0, s12;
	[sflag:s15] =	ssyncadd.s32 $0xFFFFFF80  }
0x29: {  	[tilespmem:s4], [sflag:$0x1] =	stream.linear.gather [hbm4b:s31+s4], $0x80, $0x38;
	[tilespmem:$0x880] =	vst v63  }
0x2a: {  	_ =	swait.ge [sflag:s15], $0x80  }
0x2b: {  	[sflag:s15] =	ssyncset.done $0x0  }
0x2c: {  	[sflag:s15] =	ssyncadd.s32 $0xFFFFFF80  }
0x2d: {  	[spmem:s3] =	stream.indirect.scatter.add.f32 [tilespmem:s14], [sflag:$0x1], $0x1, s4, s14, $0xb8;
	[tilespmem:$0x880] =	vst v63  }
0x2e: {  	_ =	swait.ge [sflag:s15], $0x80  }
0x2f: {  	s19 =	simm.s32 $0x20;
	s18 =	simm.s32 $0x10;
	[sflag:s15] =	ssyncset.done $0x0  }
.LBB2_2:
0x30: {  	s20 =	sadd.s32 s18, s13  }
0x31: {  	[sflag:s15] =	ssyncadd.s32 $0xFFFFFF80;
	s21 =	smov.u32 s19;
	s22 =	sadd.s32 $0x10, s19  }
0x32: {  	[tilespmem:s4], [sflag:$0x1] =	stream.linear.gather [hbm4b:s20+s4], $0x80, $0x38;
	[tilespmem:$0x880] =	vst v63  }
0x33: {  	p0 =	sne.s32 s19, $0x4E0;
	_ =	swait.ge [sflag:s15], $0x80  }
0x34: {  	[sflag:s15] =	ssyncset.done $0x0  }
0x35: {  	[sflag:s15] =	ssyncadd.s32 $0xFFFFFF80  }
0x36: {  	[spmem:s2] =	stream.indirect.scatter.add.f32 [tilespmem:s14], [sflag:$0x1], $0x1, s4, s14, $0xb8;
	[tilespmem:$0x880] =	vst v63  }
0x37: {  	_ =	swait.ge [sflag:s15], $0x80  }
0x38: {  	[sflag:s15] =	ssyncset.done $0x0  }
0x39: {  	s19 =	sadd.s32 s18, s12;
	s18 =	smov.u32 s21;
	[sflag:s15] =	ssyncadd.s32 $0xFFFFFF80  }
0x3a: {  	[tilespmem:s4], [sflag:$0x1] =	stream.linear.gather [hbm4b:s19+s4], $0x80, $0x38;
	[tilespmem:$0x880] =	vst v63  }
0x3b: {  	_ =	swait.ge [sflag:s15], $0x80  }
.Ltmp0:
0x3c: {  	[sflag:s15] =	ssyncset.done $0x0;
	(pc) =	sbr.rel @p0 .LBB2_2-.Ltmp0, $4  }
0x3d: {  	[sflag:s15] =	ssyncadd.s32 $0xFFFFFF80  }
0x3e: {  	[spmem:s3] =	stream.indirect.scatter.add.f32 [tilespmem:s14], [sflag:$0x1], $0x1, s4, s14, $0xb8;
	[tilespmem:$0x880] =	vst v63  }
0x3f: {  	_ =	swait.ge [sflag:s15], $0x80  }
0x40: {  	s19 =	smov.u32 s22;
	[sflag:s15] =	ssyncset.done $0x0  }
0x41: {  	s19 =	sadd.s32 s18, s13;
	[sflag:s15] =	ssyncadd.s32 $0xFFFFFF80  }
0x42: {  	[tilespmem:s4], [sflag:$0x1] =	stream.linear.gather [hbm4b:s19+s4], $0x80, $0x38;
	[tilespmem:$0x880] =	vst v63  }
0x43: {  	_ =	swait.ge [sflag:s15], $0x80  }
0x44: {  	[sflag:s15] =	ssyncset.done $0x0  }
0x45: {  	[sflag:s15] =	ssyncadd.s32 $0xFFFFFF80  }
0x46: {  	[spmem:s2] =	stream.indirect.scatter.add.f32 [tilespmem:s14], [sflag:$0x1], $0x1, s4, s14, $0xb8;
	[tilespmem:$0x880] =	vst v63  }
0x47: {  	_ =	swait.ge [sflag:s15], $0x80  }
0x48: {  	[sflag:s15] =	ssyncset.done $0x0  }
0x49: {  	s31 =	sadd.s32 s18, s12;
	[sflag:s15] =	ssyncadd.s32 $0xFFFFFF80  }
0x4a: {  	[tilespmem:s4], [sflag:$0x1] =	stream.linear.gather [hbm4b:s31+s4], $0x80, $0x38;
	[tilespmem:$0x880] =	vst v63  }
0x4b: {  	_ =	swait.ge [sflag:s15], $0x80  }
0x4c: {  	[sflag:s15] =	ssyncset.done $0x0  }
0x4d: {  	[sflag:s15] =	ssyncadd.s32 $0xFFFFFF80  }
0x4e: {  	[spmem:s3] =	stream.indirect.scatter.add.f32 [tilespmem:s14], [sflag:$0x1], $0x1, s4, s14, $0xb8;
	[tilespmem:$0x880] =	vst v63  }
0x4f: {  	_ =	swait.ge [sflag:s15], $0x80  }
0x50: {  	[sflag:s15] =	ssyncset.done $0x0  }
0x51: {  	[sflag:s15] =	ssyncadd.s32 $0xFFFFFF80  }
0x52: {  	[bflag:$0x0] =	sbarrier.arrive $0xFFFF  }
0x53: {  	[tilespmem:s16], [sflag:$0x1] =	stream.linear.gather [spmem:s7], $0x280, $0x38;
	[tilespmem:$0x880] =	vst v63  }
0x54: {  	_ =	swait.ge [sflag:s15], $0x280  }
0x55: {  	[sflag:s15] =	ssyncset.done $0x0  }
0x56: {  	[sflag:s15] =	ssyncadd.s32 $0xFFFFFD80  }
0x57: {  	[hbm4b:s9+s14] =	stream.strided.scatter [tilespmem:s16], [sflag:$0x1], $0x280, s16, s14, $0x38;
	[tilespmem:$0x880] =	vst v63  }
0x58: {  	_ =	swait.ge [sflag:s15], $0x280  }
0x59: {  	[sflag:s15] =	ssyncset.done $0x0  }
0x5a: {  	[sflag:s15] =	ssyncadd.s32 $0xFFFFFD80  }
0x5b: {  	[tilespmem:s16], [sflag:$0x1] =	stream.linear.gather [spmem:s8], $0x280, $0x38;
	[tilespmem:$0x880] =	vst v63  }
0x5c: {  	s17 =	sadd.s32 $0x1, s17;
	_ =	swait.ge [sflag:s15], $0x280  }
0x5d: {  	p0 =	sne.s32 s17, s11;
	[sflag:s15] =	ssyncset.done $0x0  }
.Ltmp1:
0x5e: {  	[sflag:s15] =	ssyncadd.s32 $0xFFFFFD80;
	(pc) =	sbr.rel @p0 .LBB2_1-.Ltmp1, $4  }
0x5f: {  	[hbm4b:s10+s14] =	stream.strided.scatter [tilespmem:s16], [sflag:$0x1], $0x280, s16, s14, $0x38;
	[tilespmem:$0x880] =	vst v63  }
0x60: {  	_ =	swait.ge [sflag:s15], $0x280  }
0x61: {  	[sflag:s15] =	ssyncset.done $0x0  }
0x62: {  	[sflag:s15] =	ssyncadd.s32 $0xFFFFFD80  }
0x63: {  	_ =	sfence.sel $0x180000  }
0x64: {  	[bflag:$0x0] =	sbarrier.arrive $0xFFFF  }
0x65: {  	p0 =	sne.s32 s0, $0x0;
	_ =	strace $0x90000047  }
0x66: {  	s0 =	sadd.s32 @!p0 $0x100000, s1;
	[bflag:$0x2] =	sbarrier.arrive $0xFFFF  }
0x67: {  	[sflag:s0] =	ssyncadd.tile.s32 @!p0 $0x1;
	_ =	shalt  }
.Lfunc_end2:
_tile_overlayer_lowered:
.L_overlay_start_2:
0x68: {  	(tag) =	ssettag $0x2  }
0x69: {  	s0 =	rddreg [dreg:$0x0];
	s2 =	stileid.u32  }
0x6a: {  	s1 =	rddreg [dreg:$0x1];
	p0 =	sne.s32 s2, $0x0  }
0x6b: {  	s3 =	rddreg [dreg:$0x2];
	[bflag:$0x3] =	sbarrier.arrive $0xFFFF;
	s2 =	simm.s32 @!p0 $0x1C01  }
0x6c: {  	[timem:s3], [sflag:s2] =	dma.local @!p0 [hbm:s0], s1  }
0x6d: {  	s0 =	simm.s32 @!p0 $0x1  }
0x6e: {  	_ =	swait.ge @!p0 [sflag:s0], s1  }
0x6f: {  	s1 =	ssub.s32 @!p0 $0x0, s1;
	[sflag:s0] =	ssyncset.done @!p0 $0x0  }
0x70: {  	[sflag:s0] =	ssyncadd.s32 @!p0 s1  }
0x71: {  	[bflag:$0x3] =	sbarrier.arrive $0xFFFF  }
0x72: {  	_ =	shalt  }

</sc_bundles>
